<compile_context>
chip_gen: v7x
topology: tpu7x:2x2x1
jax: 0.10.2.dev20260603
libtpu: 0.0.44.dev20260713+nightly
codegen_flags: <defaults>
</compile_context>

<pallas_src>
import functools

import jax
import jax.numpy as jnp
from jax import lax
from jax.experimental import pallas as pl
from jax.experimental.pallas import tpu as pltpu
from jax.experimental.pallas import tpu_sc as plsc

_B = 1024
_N = 38
_NP = 40
_NF = 45
_ET = 4
_H = 256
_GW = 128
_MP = 3
_M1O = 64
_BB = 32
_RB = 256

_SELU_ALPHA = 1.6732632423543772
_SELU_SCALE = 1.0507009873554805

_GGNN_NW = 11


def _mm(a, b, precision=lax.Precision.HIGHEST):
    return lax.dot_general(a, b, (((a.ndim - 1,), (0,)), ((), ())),
                           precision=precision,
                           preferred_element_type=jnp.float32)


def _bf(x):
    return x.astype(jnp.bfloat16)


def _rbf(x):
    return x.astype(jnp.bfloat16).astype(jnp.float32)


def _mmb(a, b):
    return lax.dot_general(_bf(a), _bf(b), (((a.ndim - 1,), (0,)), ((), ())),
                           precision=lax.Precision.DEFAULT,
                           preferred_element_type=jnp.float32)


def _selu(x):
    return _SELU_SCALE * jnp.where(x > 0, x, _SELU_ALPHA * (jnp.exp(x) - 1.0))


def _ggnn_compute(nodes3, edges3, w):
    bb = nodes3.shape[0]
    nodes = nodes3.reshape(bb * _NP, _NF)
    h = jnp.tanh(_mmb(nodes, w['W_in']) + w['b_in'])
    eb = edges3

    for _ in range(_MP):
        both = _mmb(h, w['W_msgh'])
        per = _rbf(both[:, :_ET * _H] + w['b_msg'])
        gh = both[:, _ET * _H:] + w['bh']
        per3 = per.reshape(bb, _NP, _ET * _H)
        ps3 = jnp.concatenate(
            [per3[:, :, e * _H:(e + 1) * _H] for e in range(_ET)], axis=1)
        msg3 = lax.dot_general(_bf(eb), _bf(ps3), (((2,), (1,)), ((0,), (0,))),
                               precision=lax.Precision.DEFAULT,
                               preferred_element_type=jnp.float32)
        msg = _rbf(msg3.reshape(bb * _NP, _H))
        gx = _mmb(msg, w['Wx']) + w['bx']
        r = jax.nn.sigmoid(gx[:, :_H] + gh[:, :_H])
        z = jax.nn.sigmoid(gx[:, _H:2 * _H] + gh[:, _H:2 * _H])
        n = jnp.tanh(gx[:, 2 * _H:] + r * gh[:, 2 * _H:])
        h = (1.0 - z) * n + z * h

    he = _mmb(h, w['W_att_he'])
    att = jax.nn.sigmoid(he[:, :_GW] + _mmb(nodes, w['W_att_n']) + w['b_att'])
    emb = he[:, _GW:] + w['b_emb']
    prod = (att * emb).reshape(bb, _NP, _GW)
    rmask = (lax.broadcasted_iota(jnp.int32, (_NP, _GW), 0) < _N).astype(jnp.float32)
    g = jnp.sum(prod * rmask[None], axis=1)
    return g, h


_GGNN_KEYS = ('W_in', 'b_in', 'W_msgh', 'b_msg', 'Wx', 'bx', 'bh',
              'W_att_he', 'W_att_n', 'b_att', 'b_emb')


def _ring_body(nodes_ref, edges_ref, *rest):
    wrefs = rest[:_GGNN_NW]
    g_ref, h_ref = rest[_GGNN_NW], rest[_GGNN_NW + 1]
    w = {k: r[...] for k, r in zip(_GGNN_KEYS, wrefs)}
    g, h = _ggnn_compute(nodes_ref[...], edges_ref[...], w)
    g_ref[...] = g
    h_ref[...] = h.reshape(_BB, _NP, _H)


def _mol_body(nodes_ref, edges_ref, *rest):
    wrefs = rest[:_GGNN_NW]
    mrefs = rest[_GGNN_NW:_GGNN_NW + 10]
    g_ref, f_ref = rest[_GGNN_NW + 10], rest[_GGNN_NW + 11]
    w = {k: r[...] for k, r in zip(_GGNN_KEYS, wrefs)}
    g, h = _ggnn_compute(nodes_ref[...], edges_ref[...], w)
    g_ref[...] = g
    x = h
    for i in range(5):
        x = _mmb(x, mrefs[2 * i][...]) + mrefs[2 * i + 1][...]
        if i < 4:
            x = _selu(x)
    f_ref[...] = x.reshape(_BB, _NP, _M1O)[:, :_N, :]


def _const_map(nd):
    return lambda i: (0,) * nd


def _ggnn_call(nodes_p, edges_t, wlist, mlist, body, out_shape, out_specs):
    grid = (_B // _BB,)
    in_specs = [
        pl.BlockSpec((_BB, _NP, _NF), lambda i: (i, 0, 0)),
        pl.BlockSpec((_BB, _NP, _ET * _NP), lambda i: (i, 0, 0)),
    ]
    args = [nodes_p, edges_t] + wlist + mlist
    in_specs += [pl.BlockSpec(a.shape, _const_map(a.ndim)) for a in wlist + mlist]
    return pl.pallas_call(
        body,
        grid=grid,
        in_specs=in_specs,
        out_specs=out_specs,
        out_shape=out_shape,
        compiler_params=pltpu.CompilerParams(dimension_semantics=("parallel",)),
    )(*args)


def _mlp2_body(f_ref, gr_ref, gm_ref, fo_ref, *rest):
    wrefs, o_ref = rest[:-1], rest[-1]
    y = (_mmb(f_ref[...], wrefs[0][...]) + _mmb(gr_ref[...], wrefs[1][...])
         + _mmb(gm_ref[...], wrefs[2][...]) + _mmb(fo_ref[...], wrefs[3][...])
         + wrefs[4][...])
    y = _selu(y)
    for i in range(3):
        y = _selu(_mmb(y, wrefs[5 + 2 * i][...]) + wrefs[6 + 2 * i][...])
    o_ref[...] = _mmb(y, wrefs[11][...]) + wrefs[12][...]


def _mlp2_call(f1, g_ring, g_mol, focused, wlist):
    grid = (_B // _RB,)
    in_specs = [
        pl.BlockSpec((_RB, _N * _M1O), lambda i: (i, 0)),
        pl.BlockSpec((_RB, _GW), lambda i: (i, 0)),
        pl.BlockSpec((_RB, _GW), lambda i: (i, 0)),
        pl.BlockSpec((_RB, _H), lambda i: (i, 0)),
    ]
    in_specs += [pl.BlockSpec(a.shape, _const_map(a.ndim)) for a in wlist]
    dout = wlist[-1].shape[-1]
    return pl.pallas_call(
        _mlp2_body,
        grid=grid,
        in_specs=in_specs,
        out_specs=pl.BlockSpec((_RB, dout), lambda i: (i, 0)),
        out_shape=jax.ShapeDtypeStruct((_B, dout), jnp.float32),
        compiler_params=pltpu.CompilerParams(dimension_semantics=("parallel",)),
    )(f1, g_ring, g_mol, focused, *wlist)


def _sc_gather(table, idx):
    info = plsc.get_sparse_core_info()
    nw = info.num_cores * info.num_subcores
    lanes = info.num_lanes
    b_per_w = _B // nw
    mesh = plsc.VectorSubcoreMesh(core_axis_name="c", subcore_axis_name="s")

    @functools.partial(
        pl.kernel, mesh=mesh,
        out_type=jax.ShapeDtypeStruct((_B, _H), jnp.float32),
        scratch_types=[
            pltpu.VMEM((b_per_w,), jnp.int32),
            pltpu.VMEM((b_per_w, _H), jnp.float32),
            pltpu.SemaphoreType.DMA,
        ],
    )
    def k(table_hbm, idx_hbm, out_hbm, idx_v, rows_v, sem):
        wid = lax.axis_index("s") * info.num_cores + lax.axis_index("c")
        base = wid * b_per_w
        pltpu.sync_copy(idx_hbm.at[pl.ds(base, b_per_w)], idx_v)
        for c in range(b_per_w // lanes):
            sl = pl.ds(c * lanes, lanes)
            gid = lax.iota(jnp.int32, lanes) + (base + c * lanes)
            idx_v[sl] = gid * _NP + idx_v[sl]
        pltpu.async_copy(table_hbm.at[idx_v], rows_v, sem).wait()
        pltpu.sync_copy(rows_v, out_hbm.at[pl.ds(base, b_per_w)])

    return k(table, idx)


def _prep_edges(e):
    ep = jnp.pad(e, ((0, 0), (0, _NP - _N), (0, _NP - _N), (0, 0)))
    return _bf(ep.transpose(0, 1, 3, 2).reshape(_B, _NP, _ET * _NP))


def _prep_ggnn_w(p):
    w_msg = p['W_msg'].transpose(1, 0, 2).reshape(_H, _ET * _H)
    return [_bf(p['W_in']), p['b_in'].reshape(1, _H),
            _bf(jnp.concatenate([w_msg, p['Wh']], axis=1)),
            p['b_msg'].reshape(1, _ET * _H),
            _bf(p['Wx']), p['bx'].reshape(1, 3 * _H),
            p['bh'].reshape(1, 3 * _H),
            _bf(jnp.concatenate([p['W_att'][:_H], p['W_emb']], axis=1)),
            _bf(p['W_att'][_H:]), p['b_att'].reshape(1, _GW),
            p['b_emb'].reshape(1, _GW)]


def kernel(molnodes, moledges, ringnodes, ringedges, focused_ids, params):
    pad_nodes = lambda n: _bf(jnp.pad(n, ((0, 0), (0, _NP - _N), (0, 0))))

    ring_w = _prep_ggnn_w(params['ring_gnn'])
    mol_w = _prep_ggnn_w(params['mol_gnn'])
    m1 = []
    for l in params['mlp1']:
        m1 += [_bf(l['W']), l['b'].reshape(1, -1)]
    p2 = params['mlp2']
    w0 = p2[0]['W']
    s0, s1, s2 = _N * _M1O, _N * _M1O + _GW, _N * _M1O + 2 * _GW
    m2 = [_bf(w0[:s0]), _bf(w0[s0:s1]), _bf(w0[s1:s2]), _bf(w0[s2:]),
          p2[0]['b'].reshape(1, -1)]
    for l in p2[1:]:
        m2 += [_bf(l['W']), l['b'].reshape(1, -1)]

    ring_out = _ggnn_call(
        pad_nodes(ringnodes), _prep_edges(ringedges), ring_w, [], _ring_body,
        [jax.ShapeDtypeStruct((_B, _GW), jnp.float32),
         jax.ShapeDtypeStruct((_B, _NP, _H), jnp.float32)],
        [pl.BlockSpec((_BB, _GW), lambda i: (i, 0)),
         pl.BlockSpec((_BB, _NP, _H), lambda i: (i, 0, 0))])
    g_ring, h_ring = ring_out

    mol_out = _ggnn_call(
        pad_nodes(molnodes), _prep_edges(moledges), mol_w, m1, _mol_body,
        [jax.ShapeDtypeStruct((_B, _GW), jnp.float32),
         jax.ShapeDtypeStruct((_B, _N, _M1O), jnp.float32)],
        [pl.BlockSpec((_BB, _GW), lambda i: (i, 0)),
         pl.BlockSpec((_BB, _N, _M1O), lambda i: (i, 0, 0))])
    g_mol, f1 = mol_out

    focused = _sc_gather(h_ring.reshape(_B * _NP, _H),
                         focused_ids.astype(jnp.int32))
    return _mlp2_call(f1.reshape(_B, _N * _M1O), g_ring, g_mol, focused, m2)

# --- scband reference (transcript-rebuilt; emitter-appended) ---
"""Pipeline reference for scband-node-connecter-70033736728668 (READ-ONLY COPY).

The authoritative reference and input builder live on the scoring server;
editing this copy changes nothing except your own understanding.
"""

import jax, jax.numpy as jnp
import numpy as np

B = 1024      # batch of graphs
N = 38        # max_atoms
NF = 45       # input node feature dim
ET = 4        # number of edge (bond) types
H = 256       # hidden_node_features
GW = 128      # gather_width
MP = 3        # message passing steps
M1H, M1D, M1O = 512, 4, 64
M2H, M2D = 512, 4
M2O = 38 * 4  # np.prod(f_node_joint_dim)
M2IN = N * M1O + GW * 2 + H


def _glorot(key, shape):
    fan_in = shape[-2] if len(shape) >= 2 else shape[0]
    return jax.random.normal(key, shape, dtype=jnp.float32) * (1.0 / np.sqrt(fan_in))


def _ggnn_params(key):
    ks = jax.random.split(key, 6)
    return {
        'W_in': _glorot(ks[0], (NF, H)), 'b_in': jnp.zeros((H,), jnp.float32),
        'W_msg': _glorot(ks[1], (ET, H, H)), 'b_msg': jnp.zeros((ET, H), jnp.float32),
        'Wx': _glorot(ks[2], (H, 3 * H)), 'Wh': _glorot(ks[3], (H, 3 * H)),
        'bx': jnp.zeros((3 * H,), jnp.float32), 'bh': jnp.zeros((3 * H,), jnp.float32),
        'W_att': _glorot(ks[4], (H + NF, GW)), 'b_att': jnp.zeros((GW,), jnp.float32),
        'W_emb': _glorot(ks[5], (H, GW)), 'b_emb': jnp.zeros((GW,), jnp.float32),
    }


def _mlp_params(key, din, hidden, depth, dout):
    dims = [din] + [hidden] * depth + [dout]
    ks = jax.random.split(key, len(dims) - 1)
    return [{'W': _glorot(ks[i], (dims[i], dims[i + 1])),
             'b': jnp.zeros((dims[i + 1],), jnp.float32)} for i in range(len(dims) - 1)]


def _mlp(x, layers):
    for i, l in enumerate(layers):
        x = x @ l['W'] + l['b']
        if i < len(layers) - 1:
            x = jax.nn.selu(x)
    return x


def _gru(m, h, p):
    gx = m @ p['Wx'] + p['bx']
    gh = h @ p['Wh'] + p['bh']
    xr, xz, xn = jnp.split(gx, 3, axis=-1)
    hr, hz, hn = jnp.split(gh, 3, axis=-1)
    r = jax.nn.sigmoid(xr + hr)
    z = jax.nn.sigmoid(xz + hz)
    n = jnp.tanh(xn + r * hn)
    return (1.0 - z) * n + z * h


def _ggnn(nodes, edges, p):
    # nodes: [B,N,NF], edges: [B,N,N,ET] dense multi-relational adjacency
    h = jnp.tanh(nodes @ p['W_in'] + p['b_in'])
    for _ in range(MP):
        per = jnp.einsum('bjh,ehk->bjek', h, p['W_msg']) + p['b_msg'][None, None, :, :]
        msg = jnp.einsum('bije,bjek->bik', edges, per)
        h = _gru(msg, h, p)
    att = jax.nn.sigmoid(jnp.concatenate([h, nodes], axis=-1) @ p['W_att'] + p['b_att'])
    emb = h @ p['W_emb'] + p['b_emb']
    g = jnp.sum(att * emb, axis=1)  # graph embedding [B, GW]
    return g, h


def setup_inputs(seed: int = 0):
    key = jax.random.key(seed)
    ks = jax.random.split(key, 9)
    molnodes = jax.random.normal(ks[0], (B, N, NF), dtype=jnp.float32)
    moledges = (jax.random.uniform(ks[1], (B, N, N, ET)) < 0.15).astype(jnp.float32)
    ringnodes = jax.random.normal(ks[2], (B, N, NF), dtype=jnp.float32)
    ringedges = (jax.random.uniform(ks[3], (B, N, N, ET)) < 0.15).astype(jnp.float32)
    focused_ids = jax.random.randint(ks[4], (B,), 0, N, dtype=jnp.int64 if jax.config.jax_enable_x64 else jnp.int32)
    params = {
        'mol_gnn': _ggnn_params(ks[5]),
        'ring_gnn': _ggnn_params(ks[6]),
        'mlp1': _mlp_params(ks[7], H, M1H, M1D, M1O),
        'mlp2': _mlp_params(ks[8], M2IN, M2H, M2D, M2O),
    }
    return {'molnodes': molnodes, 'moledges': moledges, 'ringnodes': ringnodes,
            'ringedges': ringedges, 'focused_ids': focused_ids, 'params': params}


def reference(molnodes, moledges, ringnodes, ringedges, focused_ids, params):
    molgraph_embedding, molnode_embedding = _ggnn(molnodes, moledges, params['mol_gnn'])
    ringgraph_embedding, ringnode_embedding = _ggnn(ringnodes, ringedges, params['ring_gnn'])
    batch_ids = jnp.arange(molnodes.shape[0])
    focused_node_embedding = ringnode_embedding[batch_ids, focused_ids, :]
    f_node_connect1 = _mlp(molnode_embedding, params['mlp1'])
    f_node_connect1 = f_node_connect1.reshape(-1, N * M1O)
    f_ring_node_connect2 = jnp.concatenate(
        (f_node_connect1, ringgraph_embedding, molgraph_embedding, focused_node_embedding), axis=1)
    connect_output = _mlp(f_ring_node_connect2, params['mlp2'])
    return connect_output

if __name__ == "__main__":
    import jax
    _d = setup_inputs()
    print(jax.jit(kernel)(*tuple(_d.values())))

</pallas_src>

<mosaic_0001>
#map = affine_map<(d0, d1) -> (0, 0)>
#map1 = affine_map<(d0, d1) -> (0)>
module attributes {stable_mosaic.version = 14 : i64} {
  func.func @k(%arg0: i32, %arg1: i32, %arg2: memref<40960x256xf32, #tpu.memory_space<hbm>>, %arg3: memref<1024xi32, #tpu.memory_space<hbm>>, %arg4: memref<1024x256xf32, #tpu.memory_space<hbm>>, %arg5: memref<32xi32, #tpu.memory_space<vmem>>, %arg6: memref<32x256xf32, #tpu.memory_space<vmem>>, %arg7: memref<!tpu.dma_semaphore, #tpu.memory_space<semaphore_mem>>) attributes {dimension_semantics = [#tpu.dimension_semantics<core_parallel>, #tpu.dimension_semantics<subcore_parallel>], iteration_bounds = array<i64: 2, 16>, scalar_prefetch = 0 : i64, scratch_operands = 3 : i64, tpu.core_type = #tpu.core_type<sc_vector_subcore>, window_params = [{transform_indices = #map}, {transform_indices = #map1}, {transform_indices = #map}]} {
    %mul3A = arith.constant 2 : i32
    %mul3A_0 = arith.muli %arg1, %mul3A : i32
    %add3A = arith.addi %mul3A_0, %arg0 : i32
    %mul3A_1 = arith.constant 32 : i32
    %mul3A_2 = arith.muli %add3A, %mul3A_1 : i32
    "tpu.region"() ({
      %run_scoped3A = tpu.sem_alloc : memref<!tpu.dma_semaphore, #tpu.memory_space<semaphore_mem>>
      %dma_start3A_36 = tpu.memref_slice %arg3[%mul3A_2] : memref<1024xi32, #tpu.memory_space<hbm>> -> memref<32xi32, #tpu.memory_space<hbm>>
      %dma_start3A_37 = tpu.memref_slice %arg3[%mul3A_2] : memref<1024xi32, #tpu.memory_space<hbm>> -> memref<32xi32, #tpu.memory_space<hbm>>
      tpu.enqueue_dma source(%dma_start3A_37 : memref<32xi32, #tpu.memory_space<hbm>>) target(%arg5 : memref<32xi32, #tpu.memory_space<vmem>>) target_semaphore(%run_scoped3A : memref<!tpu.dma_semaphore, #tpu.memory_space<semaphore_mem>>)
      %dma_wait3A_38 = tpu.memref_slice %arg3[%mul3A_2] : memref<1024xi32, #tpu.memory_space<hbm>> -> memref<32xi32, #tpu.memory_space<hbm>>
      %dma_wait3A_39 = tpu.memref_slice %arg3[%mul3A_2] : memref<1024xi32, #tpu.memory_space<hbm>> -> memref<32xi32, #tpu.memory_space<hbm>>
      tpu.wait_dma2 semaphore(%run_scoped3A : memref<!tpu.dma_semaphore, #tpu.memory_space<semaphore_mem>>) src(%dma_wait3A_39 : memref<32xi32, #tpu.memory_space<hbm>>) dst(%arg5 : memref<32xi32, #tpu.memory_space<vmem>>)
      tpu.yield
    }) : () -> ()
    %iota3A = tpu.iota {dimensions = array<i32: 0>} : vector<16xi32>
    %add3A_3 = arith.constant 0 : i32
    %add3A_4 = arith.addi %mul3A_2, %add3A_3 : i32
    %add3A_5 = vector.broadcast %add3A_4 : i32 to vector<16xi32>
    %add3A_6 = arith.addi %iota3A, %add3A_5 : vector<16xi32>
    %mul3A_7 = arith.constant 40 : i32
    %mul3A_8 = vector.broadcast %mul3A_7 : i32 to vector<16xi32>
    %mul3A_9 = arith.muli %add3A_6, %mul3A_8 : vector<16xi32>
    %get3A = arith.constant 0 : index
    %get3A_10 = tpu.vector_load %arg5[%get3A] {strides = array<i32>} : memref<32xi32, #tpu.memory_space<vmem>>, vector<16xi32>,
    %get3A_11 = vector.shape_cast %get3A_10 : vector<16xi32> to vector<16xi32>
    %add3A_12 = arith.addi %mul3A_9, %get3A_11 : vector<16xi32>
    %swap3A = arith.constant 0 : index
    %swap3A_13 = tpu.vector_load %arg5[%swap3A] {strides = array<i32>} : memref<32xi32, #tpu.memory_space<vmem>>, vector<16xi32>,
    %swap3A_14 = vector.shape_cast %swap3A_13 : vector<16xi32> to vector<16xi32>
    %swap3A_15 = vector.shape_cast %add3A_12 : vector<16xi32> to vector<16xi32>
    tpu.vector_store %arg5[%swap3A], %swap3A_15 {strides = array<i32>} : memref<32xi32, #tpu.memory_space<vmem>>, vector<16xi32>,
    %iota3A_16 = tpu.iota {dimensions = array<i32: 0>} : vector<16xi32>
    %add3A_17 = arith.constant 16 : i32
    %add3A_18 = arith.addi %mul3A_2, %add3A_17 : i32
    %add3A_19 = vector.broadcast %add3A_18 : i32 to vector<16xi32>
    %add3A_20 = arith.addi %iota3A_16, %add3A_19 : vector<16xi32>
    %mul3A_21 = arith.constant 40 : i32
    %mul3A_22 = vector.broadcast %mul3A_21 : i32 to vector<16xi32>
    %mul3A_23 = arith.muli %add3A_20, %mul3A_22 : vector<16xi32>
    %get3A_24 = arith.constant 16 : index
    %get3A_25 = tpu.vector_load %arg5[%get3A_24] {strides = array<i32>} : memref<32xi32, #tpu.memory_space<vmem>>, vector<16xi32>,
    %get3A_26 = vector.shape_cast %get3A_25 : vector<16xi32> to vector<16xi32>
    %add3A_27 = arith.addi %mul3A_23, %get3A_26 : vector<16xi32>
    %swap3A_28 = arith.constant 16 : index
    %swap3A_29 = tpu.vector_load %arg5[%swap3A_28] {strides = array<i32>} : memref<32xi32, #tpu.memory_space<vmem>>, vector<16xi32>,
    %swap3A_30 = vector.shape_cast %swap3A_29 : vector<16xi32> to vector<16xi32>
    %swap3A_31 = vector.shape_cast %add3A_27 : vector<16xi32> to vector<16xi32>
    tpu.vector_store %arg5[%swap3A_28], %swap3A_31 {strides = array<i32>} : memref<32xi32, #tpu.memory_space<vmem>>, vector<16xi32>,
    %dma_start3A = arith.constant 0 : i32
    %dma_start3A_32 = arith.constant 0 : i32
    %dma_start3A_33 = tpu.memref_slice %arg2[%dma_start3A, %dma_start3A_32] : memref<40960x256xf32, #tpu.memory_space<hbm>> -> memref<40960x256xf32, #tpu.memory_space<hbm>>
    tpu.enqueue_indirect_dma source(%dma_start3A_33 : memref<40960x256xf32, #tpu.memory_space<hbm>>) target(%arg6 : memref<32x256xf32, #tpu.memory_space<vmem>>) offsets(%arg5 : memref<32xi32, #tpu.memory_space<vmem>>) semaphore(%arg7 : memref<!tpu.dma_semaphore, #tpu.memory_space<semaphore_mem>>)
    %dma_wait3A = arith.constant 0 : i32
    %dma_wait3A_34 = arith.constant 0 : i32
    %dma_wait3A_35 = tpu.memref_slice %arg2[%dma_wait3A, %dma_wait3A_34] : memref<40960x256xf32, #tpu.memory_space<hbm>> -> memref<40960x256xf32, #tpu.memory_space<hbm>>
    tpu.wait_indirect_dma semaphore(%arg7 : memref<!tpu.dma_semaphore, #tpu.memory_space<semaphore_mem>>) src(%dma_wait3A_35 : memref<40960x256xf32, #tpu.memory_space<hbm>>) dst(%arg6 : memref<32x256xf32, #tpu.memory_space<vmem>>)
    "tpu.region"() ({
      %run_scoped3A = tpu.sem_alloc : memref<!tpu.dma_semaphore, #tpu.memory_space<semaphore_mem>>
      %dma_start3A_36 = arith.constant 0 : i32
      %dma_start3A_37 = tpu.memref_slice %arg4[%mul3A_2, %dma_start3A_36] : memref<1024x256xf32, #tpu.memory_space<hbm>> -> memref<32x256xf32, #tpu.memory_space<hbm>>
      %dma_start3A_38 = arith.constant 0 : i32
      %dma_start3A_39 = tpu.memref_slice %arg4[%mul3A_2, %dma_start3A_38] : memref<1024x256xf32, #tpu.memory_space<hbm>> -> memref<32x256xf32, #tpu.memory_space<hbm>>
      tpu.enqueue_dma source(%arg6 : memref<32x256xf32, #tpu.memory_space<vmem>>) target(%dma_start3A_39 : memref<32x256xf32, #tpu.memory_space<hbm>>) target_semaphore(%run_scoped3A : memref<!tpu.dma_semaphore, #tpu.memory_space<semaphore_mem>>)
      %dma_wait3A_40 = arith.constant 0 : i32
      %dma_wait3A_41 = tpu.memref_slice %arg4[%mul3A_2, %dma_wait3A_40] : memref<1024x256xf32, #tpu.memory_space<hbm>> -> memref<32x256xf32, #tpu.memory_space<hbm>>
      %dma_wait3A_42 = arith.constant 0 : i32
      %dma_wait3A_43 = tpu.memref_slice %arg4[%mul3A_2, %dma_wait3A_42] : memref<1024x256xf32, #tpu.memory_space<hbm>> -> memref<32x256xf32, #tpu.memory_space<hbm>>
      tpu.wait_dma2 semaphore(%run_scoped3A : memref<!tpu.dma_semaphore, #tpu.memory_space<semaphore_mem>>) src(%arg6 : memref<32x256xf32, #tpu.memory_space<vmem>>) dst(%dma_wait3A_43 : memref<32x256xf32, #tpu.memory_space<hbm>>)
      tpu.yield
    }) : () -> ()
    return
  }
}

module attributes {stable_mosaic.version = 14 : i64} {
  func.func @_ring_body(%arg0: i32, %arg1: memref<32x40x45xbf16, #tpu.memory_space<vmem>>, %arg2: memref<32x40x160xbf16, #tpu.memory_space<vmem>>, %arg3: memref<45x256xbf16, #tpu.memory_space<vmem>>, %arg4: memref<1x256xf32, #tpu.memory_space<vmem>>, %arg5: memref<256x1792xbf16, #tpu.memory_space<vmem>>, %arg6: memref<1x1024xf32, #tpu.memory_space<vmem>>, %arg7: memref<256x768xbf16, #tpu.memory_space<vmem>>, %arg8: memref<1x768xf32, #tpu.memory_space<vmem>>, %arg9: memref<1x768xf32, #tpu.memory_space<vmem>>, %arg10: memref<256x256xbf16, #tpu.memory_space<vmem>>, %arg11: memref<45x128xbf16, #tpu.memory_space<vmem>>, %arg12: memref<1x128xf32, #tpu.memory_space<vmem>>, %arg13: memref<1x128xf32, #tpu.memory_space<vmem>>, %arg14: memref<32x128xf32, #tpu.memory_space<vmem>>, %arg15: memref<32x40x256xf32, #tpu.memory_space<vmem>>) attributes {dimension_semantics = [#tpu.dimension_semantics<parallel>], iteration_bounds = array<i64: 32>, scalar_prefetch = 0 : i64, scratch_operands = 0 : i64, tpu.core_type = #tpu.core_type<tc>, window_params = [{transform_indices = @transform_0, window_bounds = array<i64: 32, 40, 45>}, {transform_indices = @transform_1, window_bounds = array<i64: 32, 40, 160>}, {pipeline_mode = #tpu.pipeline_mode<synchronous>, transform_indices = @transform_2, window_bounds = array<i64: 45, 256>}, {pipeline_mode = #tpu.pipeline_mode<synchronous>, transform_indices = @transform_3, window_bounds = array<i64: 1, 256>}, {pipeline_mode = #tpu.pipeline_mode<synchronous>, transform_indices = @transform_4, window_bounds = array<i64: 256, 1792>}, {pipeline_mode = #tpu.pipeline_mode<synchronous>, transform_indices = @transform_5, window_bounds = array<i64: 1, 1024>}, {pipeline_mode = #tpu.pipeline_mode<synchronous>, transform_indices = @transform_6, window_bounds = array<i64: 256, 768>}, {pipeline_mode = #tpu.pipeline_mode<synchronous>, transform_indices = @transform_7, window_bounds = array<i64: 1, 768>}, {pipeline_mode = #tpu.pipeline_mode<synchronous>, transform_indices = @transform_8, window_bounds = array<i64: 1, 768>}, {pipeline_mode = #tpu.pipeline_mode<synchronous>, transform_indices = @transform_9, window_bounds = array<i64: 256, 256>}, {pipeline_mode = #tpu.pipeline_mode<synchronous>, transform_indices = @transform_10, window_bounds = array<i64: 45, 128>}, {pipeline_mode = #tpu.pipeline_mode<synchronous>, transform_indices = @transform_11, window_bounds = array<i64: 1, 128>}, {pipeline_mode = #tpu.pipeline_mode<synchronous>, transform_indices = @transform_12, window_bounds = array<i64: 1, 128>}, {transform_indices = @transform_13, window_bounds = array<i64: 32, 128>}, {transform_indices = @transform_14, window_bounds = array<i64: 32, 40, 256>}]} {
    %get3A = arith.constant 0 : index
    %get3A_0 = arith.constant 0 : index
    %get3A_1 = vector.load %arg3[%get3A, %get3A_0] : memref<45x256xbf16, #tpu.memory_space<vmem>>, vector<45x256xbf16>
    %get3A_2 = arith.constant 0 : index
    %get3A_3 = arith.constant 0 : index
    %get3A_4 = vector.load %arg4[%get3A_2, %get3A_3] : memref<1x256xf32, #tpu.memory_space<vmem>>, vector<1x256xf32>
    %get3A_5 = arith.constant 0 : index
    %get3A_6 = arith.constant 0 : index
    %get3A_7 = vector.load %arg5[%get3A_5, %get3A_6] : memref<256x1792xbf16, #tpu.memory_space<vmem>>, vector<256x1792xbf16>
    %get3A_8 = arith.constant 0 : index
    %get3A_9 = arith.constant 0 : index
    %get3A_10 = vector.load %arg6[%get3A_8, %get3A_9] : memref<1x1024xf32, #tpu.memory_space<vmem>>, vector<1x1024xf32>
    %get3A_11 = arith.constant 0 : index
    %get3A_12 = arith.constant 0 : index
    %get3A_13 = vector.load %arg7[%get3A_11, %get3A_12] : memref<256x768xbf16, #tpu.memory_space<vmem>>, vector<256x768xbf16>
    %get3A_14 = arith.constant 0 : index
    %get3A_15 = arith.constant 0 : index
    %get3A_16 = vector.load %arg8[%get3A_14, %get3A_15] : memref<1x768xf32, #tpu.memory_space<vmem>>, vector<1x768xf32>
    %get3A_17 = arith.constant 0 : index
    %get3A_18 = arith.constant 0 : index
    %get3A_19 = vector.load %arg9[%get3A_17, %get3A_18] : memref<1x768xf32, #tpu.memory_space<vmem>>, vector<1x768xf32>
    %get3A_20 = arith.constant 0 : index
    %get3A_21 = arith.constant 0 : index
    %get3A_22 = vector.load %arg10[%get3A_20, %get3A_21] : memref<256x256xbf16, #tpu.memory_space<vmem>>, vector<256x256xbf16>
    %get3A_23 = arith.constant 0 : index
    %get3A_24 = arith.constant 0 : index
    %get3A_25 = vector.load %arg11[%get3A_23, %get3A_24] : memref<45x128xbf16, #tpu.memory_space<vmem>>, vector<45x128xbf16>
    %get3A_26 = arith.constant 0 : index
    %get3A_27 = arith.constant 0 : index
    %get3A_28 = vector.load %arg12[%get3A_26, %get3A_27] : memref<1x128xf32, #tpu.memory_space<vmem>>, vector<1x128xf32>
    %get3A_29 = arith.constant 0 : index
    %get3A_30 = arith.constant 0 : index
    %get3A_31 = vector.load %arg13[%get3A_29, %get3A_30] : memref<1x128xf32, #tpu.memory_space<vmem>>, vector<1x128xf32>
    %get3A_32 = arith.constant 0 : index
    %get3A_33 = arith.constant 0 : index
    %get3A_34 = arith.constant 0 : index
    %get3A_35 = vector.load %arg1[%get3A_32, %get3A_33, %get3A_34] : memref<32x40x45xbf16, #tpu.memory_space<vmem>>, vector<32x40x45xbf16>
    %get3A_36 = arith.constant 0 : index
    %get3A_37 = arith.constant 0 : index
    %get3A_38 = arith.constant 0 : index
    %get3A_39 = vector.load %arg2[%get3A_36, %get3A_37, %get3A_38] : memref<32x40x160xbf16, #tpu.memory_space<vmem>>, vector<32x40x160xbf16>
    %reshape3A = vector.shape_cast %get3A_35 : vector<32x40x45xbf16> to vector<1280x45xbf16>
    %dot_general3A = arith.constant dense<0.000000e+00> : vector<1280x256xf32>
    %dot_general3A_40 = tpu.matmul %reshape3A, %get3A_1, %dot_general3A {dimension_numbers = #tpu.dot_dimension_numbers<[1], [0], [0], [1], [0, 0, 1, 1], [], []>, transpose_lhs_hint = false} : vector<1280x45xbf16>, vector<45x256xbf16>, vector<1280x256xf32> -> vector<1280x256xf32>
    %add3A = vector.broadcast %get3A_4 : vector<1x256xf32> to vector<1280x256xf32>
    %add3A_41 = arith.addf %dot_general3A_40, %add3A : vector<1280x256xf32>
    %tanh3A = math.tanh %add3A_41 : vector<1280x256xf32>
    %convert_element_type3A = arith.truncf %tanh3A : vector<1280x256xf32> to vector<1280x256xbf16>
    %dot_general3A_42 = arith.constant dense<0.000000e+00> : vector<1280x1792xf32>
    %dot_general3A_43 = tpu.matmul %convert_element_type3A, %get3A_7, %dot_general3A_42 {dimension_numbers = #tpu.dot_dimension_numbers<[1], [0], [0], [1], [0, 0, 1, 1], [], []>, transpose_lhs_hint = false} : vector<1280x256xbf16>, vector<256x1792xbf16>, vector<1280x1792xf32> -> vector<1280x1792xf32>
    %slice3A = vector.extract_strided_slice %dot_general3A_43 {offsets = [0, 0], sizes = [1280, 1024], strides = [1, 1]} : vector<1280x1792xf32> to vector<1280x1024xf32>
    %add3A_44 = vector.broadcast %get3A_10 : vector<1x1024xf32> to vector<1280x1024xf32>
    %add3A_45 = arith.addf %slice3A, %add3A_44 : vector<1280x1024xf32>
    %convert_element_type3A_46 = arith.truncf %add3A_45 : vector<1280x1024xf32> to vector<1280x1024xbf16>
    %convert_element_type3A_47 = arith.extf %convert_element_type3A_46 : vector<1280x1024xbf16> to vector<1280x1024xf32>
    %slice3A_48 = vector.extract_strided_slice %dot_general3A_43 {offsets = [0, 1024], sizes = [1280, 768], strides = [1, 1]} : vector<1280x1792xf32> to vector<1280x768xf32>
    %add3A_49 = vector.broadcast %get3A_19 : vector<1x768xf32> to vector<1280x768xf32>
    %add3A_50 = arith.addf %slice3A_48, %add3A_49 : vector<1280x768xf32>
    %reshape3A_51 = vector.shape_cast %convert_element_type3A_47 : vector<1280x1024xf32> to vector<32x40x1024xf32>
    %slice3A_52 = vector.extract_strided_slice %reshape3A_51 {offsets = [0, 0, 0], sizes = [32, 40, 256], strides = [1, 1, 1]} : vector<32x40x1024xf32> to vector<32x40x256xf32>
    %slice3A_53 = vector.extract_strided_slice %reshape3A_51 {offsets = [0, 0, 256], sizes = [32, 40, 256], strides = [1, 1, 1]} : vector<32x40x1024xf32> to vector<32x40x256xf32>
    %slice3A_54 = vector.extract_strided_slice %reshape3A_51 {offsets = [0, 0, 512], sizes = [32, 40, 256], strides = [1, 1, 1]} : vector<32x40x1024xf32> to vector<32x40x256xf32>
    %slice3A_55 = vector.extract_strided_slice %reshape3A_51 {offsets = [0, 0, 768], sizes = [32, 40, 256], strides = [1, 1, 1]} : vector<32x40x1024xf32> to vector<32x40x256xf32>
    %concatenate3A = tpu.concatenate %slice3A_52, %slice3A_53, %slice3A_54, %slice3A_55 in 1 : vector<32x40x256xf32>, vector<32x40x256xf32>, vector<32x40x256xf32>, vector<32x40x256xf32> -> vector<32x160x256xf32>
    %convert_element_type3A_56 = arith.truncf %concatenate3A : vector<32x160x256xf32> to vector<32x160x256xbf16>
    %dot_general3A_57 = arith.constant dense<0.000000e+00> : vector<32x40x256xf32>
    %dot_general3A_58 = tpu.matmul %get3A_39, %convert_element_type3A_56, %dot_general3A_57 {dimension_numbers = #tpu.dot_dimension_numbers<[2], [1], [1], [2], [0, 0, 0, 1, 1, 2], [0], [0]>, transpose_lhs_hint = false} : vector<32x40x160xbf16>, vector<32x160x256xbf16>, vector<32x40x256xf32> -> vector<32x40x256xf32>
    %reshape3A_59 = vector.shape_cast %dot_general3A_58 : vector<32x40x256xf32> to vector<1280x256xf32>
    %convert_element_type3A_60 = arith.truncf %reshape3A_59 : vector<1280x256xf32> to vector<1280x256xbf16>
    %convert_element_type3A_61 = arith.extf %convert_element_type3A_60 : vector<1280x256xbf16> to vector<1280x256xf32>
    %convert_element_type3A_62 = arith.truncf %convert_element_type3A_61 : vector<1280x256xf32> to vector<1280x256xbf16>
    %dot_general3A_63 = arith.constant dense<0.000000e+00> : vector<1280x768xf32>
    %dot_general3A_64 = tpu.matmul %convert_element_type3A_62, %get3A_13, %dot_general3A_63 {dimension_numbers = #tpu.dot_dimension_numbers<[1], [0], [0], [1], [0, 0, 1, 1], [], []>, transpose_lhs_hint = false} : vector<1280x256xbf16>, vector<256x768xbf16>, vector<1280x768xf32> -> vector<1280x768xf32>
    %add3A_65 = vector.broadcast %get3A_16 : vector<1x768xf32> to vector<1280x768xf32>
    %add3A_66 = arith.addf %dot_general3A_64, %add3A_65 : vector<1280x768xf32>
    %slice3A_67 = vector.extract_strided_slice %add3A_66 {offsets = [0, 0], sizes = [1280, 256], strides = [1, 1]} : vector<1280x768xf32> to vector<1280x256xf32>
    %slice3A_68 = vector.extract_strided_slice %add3A_50 {offsets = [0, 0], sizes = [1280, 256], strides = [1, 1]} : vector<1280x768xf32> to vector<1280x256xf32>
    %add3A_69 = arith.addf %slice3A_67, %slice3A_68 : vector<1280x256xf32>
    %logistic3A = arith.negf %add3A_69 : vector<1280x256xf32>
    %logistic3A_70 = math.exp %logistic3A : vector<1280x256xf32>
    %logistic3A_71 = arith.constant 1.000000e+00 : f32
    %logistic3A_72 = vector.broadcast %logistic3A_71 : f32 to vector<1280x256xf32>
    %logistic3A_73 = arith.addf %logistic3A_72, %logistic3A_70 : vector<1280x256xf32>
    %logistic3A_74 = arith.divf %logistic3A_72, %logistic3A_73 : vector<1280x256xf32>
    %slice3A_75 = vector.extract_strided_slice %add3A_66 {offsets = [0, 256], sizes = [1280, 256], strides = [1, 1]} : vector<1280x768xf32> to vector<1280x256xf32>
    %slice3A_76 = vector.extract_strided_slice %add3A_50 {offsets = [0, 256], sizes = [1280, 256], strides = [1, 1]} : vector<1280x768xf32> to vector<1280x256xf32>
    %add3A_77 = arith.addf %slice3A_75, %slice3A_76 : vector<1280x256xf32>
    %logistic3A_78 = arith.negf %add3A_77 : vector<1280x256xf32>
    %logistic3A_79 = math.exp %logistic3A_78 : vector<1280x256xf32>
    %logistic3A_80 = arith.constant 1.000000e+00 : f32
    %logistic3A_81 = vector.broadcast %logistic3A_80 : f32 to vector<1280x256xf32>
    %logistic3A_82 = arith.addf %logistic3A_81, %logistic3A_79 : vector<1280x256xf32>
    %logistic3A_83 = arith.divf %logistic3A_81, %logistic3A_82 : vector<1280x256xf32>
    %slice3A_84 = vector.extract_strided_slice %add3A_66 {offsets = [0, 512], sizes = [1280, 256], strides = [1, 1]} : vector<1280x768xf32> to vector<1280x256xf32>
    %slice3A_85 = vector.extract_strided_slice %add3A_50 {offsets = [0, 512], sizes = [1280, 256], strides = [1, 1]} : vector<1280x768xf32> to vector<1280x256xf32>
    %mul3A = arith.mulf %logistic3A_74, %slice3A_85 : vector<1280x256xf32>
    %add3A_86 = arith.addf %slice3A_84, %mul3A : vector<1280x256xf32>
    %tanh3A_87 = math.tanh %add3A_86 : vector<1280x256xf32>
    %sub3A = arith.constant 1.000000e+00 : f32
    %sub3A_88 = vector.broadcast %sub3A : f32 to vector<1280x256xf32>
    %sub3A_89 = arith.subf %sub3A_88, %logistic3A_83 : vector<1280x256xf32>
    %mul3A_90 = arith.mulf %sub3A_89, %tanh3A_87 : vector<1280x256xf32>
    %mul3A_91 = arith.mulf %logistic3A_83, %tanh3A : vector<1280x256xf32>
    %add3A_92 = arith.addf %mul3A_90, %mul3A_91 : vector<1280x256xf32>
    %convert_element_type3A_93 = arith.truncf %add3A_92 : vector<1280x256xf32> to vector<1280x256xbf16>
    %dot_general3A_94 = arith.constant dense<0.000000e+00> : vector<1280x1792xf32>
    %dot_general3A_95 = tpu.matmul %convert_element_type3A_93, %get3A_7, %dot_general3A_94 {dimension_numbers = #tpu.dot_dimension_numbers<[1], [0], [0], [1], [0, 0, 1, 1], [], []>, transpose_lhs_hint = false} : vector<1280x256xbf16>, vector<256x1792xbf16>, vector<1280x1792xf32> -> vector<1280x1792xf32>
    %slice3A_96 = vector.extract_strided_slice %dot_general3A_95 {offsets = [0, 0], sizes = [1280, 1024], strides = [1, 1]} : vector<1280x1792xf32> to vector<1280x1024xf32>
    %add3A_97 = vector.broadcast %get3A_10 : vector<1x1024xf32> to vector<1280x1024xf32>
    %add3A_98 = arith.addf %slice3A_96, %add3A_97 : vector<1280x1024xf32>
    %convert_element_type3A_99 = arith.truncf %add3A_98 : vector<1280x1024xf32> to vector<1280x1024xbf16>
    %convert_element_type3A_100 = arith.extf %convert_element_type3A_99 : vector<1280x1024xbf16> to vector<1280x1024xf32>
    %slice3A_101 = vector.extract_strided_slice %dot_general3A_95 {offsets = [0, 1024], sizes = [1280, 768], strides = [1, 1]} : vector<1280x1792xf32> to vector<1280x768xf32>
    %add3A_102 = vector.broadcast %get3A_19 : vector<1x768xf32> to vector<1280x768xf32>
    %add3A_103 = arith.addf %slice3A_101, %add3A_102 : vector<1280x768xf32>
    %reshape3A_104 = vector.shape_cast %convert_element_type3A_100 : vector<1280x1024xf32> to vector<32x40x1024xf32>
    %slice3A_105 = vector.extract_strided_slice %reshape3A_104 {offsets = [0, 0, 0], sizes = [32, 40, 256], strides = [1, 1, 1]} : vector<32x40x1024xf32> to vector<32x40x256xf32>
    %slice3A_106 = vector.extract_strided_slice %reshape3A_104 {offsets = [0, 0, 256], sizes = [32, 40, 256], strides = [1, 1, 1]} : vector<32x40x1024xf32> to vector<32x40x256xf32>
    %slice3A_107 = vector.extract_strided_slice %reshape3A_104 {offsets = [0, 0, 512], sizes = [32, 40, 256], strides = [1, 1, 1]} : vector<32x40x1024xf32> to vector<32x40x256xf32>
    %slice3A_108 = vector.extract_strided_slice %reshape3A_104 {offsets = [0, 0, 768], sizes = [32, 40, 256], strides = [1, 1, 1]} : vector<32x40x1024xf32> to vector<32x40x256xf32>
    %concatenate3A_109 = tpu.concatenate %slice3A_105, %slice3A_106, %slice3A_107, %slice3A_108 in 1 : vector<32x40x256xf32>, vector<32x40x256xf32>, vector<32x40x256xf32>, vector<32x40x256xf32> -> vector<32x160x256xf32>
    %convert_element_type3A_110 = arith.truncf %concatenate3A_109 : vector<32x160x256xf32> to vector<32x160x256xbf16>
    %dot_general3A_111 = arith.constant dense<0.000000e+00> : vector<32x40x256xf32>
    %dot_general3A_112 = tpu.matmul %get3A_39, %convert_element_type3A_110, %dot_general3A_111 {dimension_numbers = #tpu.dot_dimension_numbers<[2], [1], [1], [2], [0, 0, 0, 1, 1, 2], [0], [0]>, transpose_lhs_hint = false} : vector<32x40x160xbf16>, vector<32x160x256xbf16>, vector<32x40x256xf32> -> vector<32x40x256xf32>
    %reshape3A_113 = vector.shape_cast %dot_general3A_112 : vector<32x40x256xf32> to vector<1280x256xf32>
    %convert_element_type3A_114 = arith.truncf %reshape3A_113 : vector<1280x256xf32> to vector<1280x256xbf16>
    %convert_element_type3A_115 = arith.extf %convert_element_type3A_114 : vector<1280x256xbf16> to vector<1280x256xf32>
    %convert_element_type3A_116 = arith.truncf %convert_element_type3A_115 : vector<1280x256xf32> to vector<1280x256xbf16>
    %dot_general3A_117 = arith.constant dense<0.000000e+00> : vector<1280x768xf32>
    %dot_general3A_118 = tpu.matmul %convert_element_type3A_116, %get3A_13, %dot_general3A_117 {dimension_numbers = #tpu.dot_dimension_numbers<[1], [0], [0], [1], [0, 0, 1, 1], [], []>, transpose_lhs_hint = false} : vector<1280x256xbf16>, vector<256x768xbf16>, vector<1280x768xf32> -> vector<1280x768xf32>
    %add3A_119 = vector.broadcast %get3A_16 : vector<1x768xf32> to vector<1280x768xf32>
    %add3A_120 = arith.addf %dot_general3A_118, %add3A_119 : vector<1280x768xf32>
    %slice3A_121 = vector.extract_strided_slice %add3A_120 {offsets = [0, 0], sizes = [1280, 256], strides = [1, 1]} : vector<1280x768xf32> to vector<1280x256xf32>
    %slice3A_122 = vector.extract_strided_slice %add3A_103 {offsets = [0, 0], sizes = [1280, 256], strides = [1, 1]} : vector<1280x768xf32> to vector<1280x256xf32>
    %add3A_123 = arith.addf %slice3A_121, %slice3A_122 : vector<1280x256xf32>
    %logistic3A_124 = arith.negf %add3A_123 : vector<1280x256xf32>
    %logistic3A_125 = math.exp %logistic3A_124 : vector<1280x256xf32>
    %logistic3A_126 = arith.constant 1.000000e+00 : f32
    %logistic3A_127 = vector.broadcast %logistic3A_126 : f32 to vector<1280x256xf32>
    %logistic3A_128 = arith.addf %logistic3A_127, %logistic3A_125 : vector<1280x256xf32>
    %logistic3A_129 = arith.divf %logistic3A_127, %logistic3A_128 : vector<1280x256xf32>
    %slice3A_130 = vector.extract_strided_slice %add3A_120 {offsets = [0, 256], sizes = [1280, 256], strides = [1, 1]} : vector<1280x768xf32> to vector<1280x256xf32>
    %slice3A_131 = vector.extract_strided_slice %add3A_103 {offsets = [0, 256], sizes = [1280, 256], strides = [1, 1]} : vector<1280x768xf32> to vector<1280x256xf32>
    %add3A_132 = arith.addf %slice3A_130, %slice3A_131 : vector<1280x256xf32>
    %logistic3A_133 = arith.negf %add3A_132 : vector<1280x256xf32>
    %logistic3A_134 = math.exp %logistic3A_133 : vector<1280x256xf32>
    %logistic3A_135 = arith.constant 1.000000e+00 : f32
    %logistic3A_136 = vector.broadcast %logistic3A_135 : f32 to vector<1280x256xf32>
    %logistic3A_137 = arith.addf %logistic3A_136, %logistic3A_134 : vector<1280x256xf32>
    %logistic3A_138 = arith.divf %logistic3A_136, %logistic3A_137 : vector<1280x256xf32>
    %slice3A_139 = vector.extract_strided_slice %add3A_120 {offsets = [0, 512], sizes = [1280, 256], strides = [1, 1]} : vector<1280x768xf32> to vector<1280x256xf32>
    %slice3A_140 = vector.extract_strided_slice %add3A_103 {offsets = [0, 512], sizes = [1280, 256], strides = [1, 1]} : vector<1280x768xf32> to vector<1280x256xf32>
    %mul3A_141 = arith.mulf %logistic3A_129, %slice3A_140 : vector<1280x256xf32>
    %add3A_142 = arith.addf %slice3A_139, %mul3A_141 : vector<1280x256xf32>
    %tanh3A_143 = math.tanh %add3A_142 : vector<1280x256xf32>
    %sub3A_144 = arith.constant 1.000000e+00 : f32
    %sub3A_145 = vector.broadcast %sub3A_144 : f32 to vector<1280x256xf32>
    %sub3A_146 = arith.subf %sub3A_145, %logistic3A_138 : vector<1280x256xf32>
    %mul3A_147 = arith.mulf %sub3A_146, %tanh3A_143 : vector<1280x256xf32>
    %mul3A_148 = arith.mulf %logistic3A_138, %add3A_92 : vector<1280x256xf32>
    %add3A_149 = arith.addf %mul3A_147, %mul3A_148 : vector<1280x256xf32>
    %convert_element_type3A_150 = arith.truncf %add3A_149 : vector<1280x256xf32> to vector<1280x256xbf16>
    %dot_general3A_151 = arith.constant dense<0.000000e+00> : vector<1280x1792xf32>
    %dot_general3A_152 = tpu.matmul %convert_element_type3A_150, %get3A_7, %dot_general3A_151 {dimension_numbers = #tpu.dot_dimension_numbers<[1], [0], [0], [1], [0, 0, 1, 1], [], []>, transpose_lhs_hint = false} : vector<1280x256xbf16>, vector<256x1792xbf16>, vector<1280x1792xf32> -> vector<1280x1792xf32>
    %slice3A_153 = vector.extract_strided_slice %dot_general3A_152 {offsets = [0, 0], sizes = [1280, 1024], strides = [1, 1]} : vector<1280x1792xf32> to vector<1280x1024xf32>
    %add3A_154 = vector.broadcast %get3A_10 : vector<1x1024xf32> to vector<1280x1024xf32>
    %add3A_155 = arith.addf %slice3A_153, %add3A_154 : vector<1280x1024xf32>
    %convert_element_type3A_156 = arith.truncf %add3A_155 : vector<1280x1024xf32> to vector<1280x1024xbf16>
    %convert_element_type3A_157 = arith.extf %convert_element_type3A_156 : vector<1280x1024xbf16> to vector<1280x1024xf32>
    %slice3A_158 = vector.extract_strided_slice %dot_general3A_152 {offsets = [0, 1024], sizes = [1280, 768], strides = [1, 1]} : vector<1280x1792xf32> to vector<1280x768xf32>
    %add3A_159 = vector.broadcast %get3A_19 : vector<1x768xf32> to vector<1280x768xf32>
    %add3A_160 = arith.addf %slice3A_158, %add3A_159 : vector<1280x768xf32>
    %reshape3A_161 = vector.shape_cast %convert_element_type3A_157 : vector<1280x1024xf32> to vector<32x40x1024xf32>
    %slice3A_162 = vector.extract_strided_slice %reshape3A_161 {offsets = [0, 0, 0], sizes = [32, 40, 256], strides = [1, 1, 1]} : vector<32x40x1024xf32> to vector<32x40x256xf32>
    %slice3A_163 = vector.extract_strided_slice %reshape3A_161 {offsets = [0, 0, 256], sizes = [32, 40, 256], strides = [1, 1, 1]} : vector<32x40x1024xf32> to vector<32x40x256xf32>
    %slice3A_164 = vector.extract_strided_slice %reshape3A_161 {offsets = [0, 0, 512], sizes = [32, 40, 256], strides = [1, 1, 1]} : vector<32x40x1024xf32> to vector<32x40x256xf32>
    %slice3A_165 = vector.extract_strided_slice %reshape3A_161 {offsets = [0, 0, 768], sizes = [32, 40, 256], strides = [1, 1, 1]} : vector<32x40x1024xf32> to vector<32x40x256xf32>
    %concatenate3A_166 = tpu.concatenate %slice3A_162, %slice3A_163, %slice3A_164, %slice3A_165 in 1 : vector<32x40x256xf32>, vector<32x40x256xf32>, vector<32x40x256xf32>, vector<32x40x256xf32> -> vector<32x160x256xf32>
    %convert_element_type3A_167 = arith.truncf %concatenate3A_166 : vector<32x160x256xf32> to vector<32x160x256xbf16>
    %dot_general3A_168 = arith.constant dense<0.000000e+00> : vector<32x40x256xf32>
    %dot_general3A_169 = tpu.matmul %get3A_39, %convert_element_type3A_167, %dot_general3A_168 {dimension_numbers = #tpu.dot_dimension_numbers<[2], [1], [1], [2], [0, 0, 0, 1, 1, 2], [0], [0]>, transpose_lhs_hint = false} : vector<32x40x160xbf16>, vector<32x160x256xbf16>, vector<32x40x256xf32> -> vector<32x40x256xf32>
    %reshape3A_170 = vector.shape_cast %dot_general3A_169 : vector<32x40x256xf32> to vector<1280x256xf32>
    %convert_element_type3A_171 = arith.truncf %reshape3A_170 : vector<1280x256xf32> to vector<1280x256xbf16>
    %convert_element_type3A_172 = arith.extf %convert_element_type3A_171 : vector<1280x256xbf16> to vector<1280x256xf32>
    %convert_element_type3A_173 = arith.truncf %convert_element_type3A_172 : vector<1280x256xf32> to vector<1280x256xbf16>
    %dot_general3A_174 = arith.constant dense<0.000000e+00> : vector<1280x768xf32>
    %dot_general3A_175 = tpu.matmul %convert_element_type3A_173, %get3A_13, %dot_general3A_174 {dimension_numbers = #tpu.dot_dimension_numbers<[1], [0], [0], [1], [0, 0, 1, 1], [], []>, transpose_lhs_hint = false} : vector<1280x256xbf16>, vector<256x768xbf16>, vector<1280x768xf32> -> vector<1280x768xf32>
    %add3A_176 = vector.broadcast %get3A_16 : vector<1x768xf32> to vector<1280x768xf32>
    %add3A_177 = arith.addf %dot_general3A_175, %add3A_176 : vector<1280x768xf32>
    %slice3A_178 = vector.extract_strided_slice %add3A_177 {offsets = [0, 0], sizes = [1280, 256], strides = [1, 1]} : vector<1280x768xf32> to vector<1280x256xf32>
    %slice3A_179 = vector.extract_strided_slice %add3A_160 {offsets = [0, 0], sizes = [1280, 256], strides = [1, 1]} : vector<1280x768xf32> to vector<1280x256xf32>
    %add3A_180 = arith.addf %slice3A_178, %slice3A_179 : vector<1280x256xf32>
    %logistic3A_181 = arith.negf %add3A_180 : vector<1280x256xf32>
    %logistic3A_182 = math.exp %logistic3A_181 : vector<1280x256xf32>
    %logistic3A_183 = arith.constant 1.000000e+00 : f32
    %logistic3A_184 = vector.broadcast %logistic3A_183 : f32 to vector<1280x256xf32>
    %logistic3A_185 = arith.addf %logistic3A_184, %logistic3A_182 : vector<1280x256xf32>
    %logistic3A_186 = arith.divf %logistic3A_184, %logistic3A_185 : vector<1280x256xf32>
    %slice3A_187 = vector.extract_strided_slice %add3A_177 {offsets = [0, 256], sizes = [1280, 256], strides = [1, 1]} : vector<1280x768xf32> to vector<1280x256xf32>
    %slice3A_188 = vector.extract_strided_slice %add3A_160 {offsets = [0, 256], sizes = [1280, 256], strides = [1, 1]} : vector<1280x768xf32> to vector<1280x256xf32>
    %add3A_189 = arith.addf %slice3A_187, %slice3A_188 : vector<1280x256xf32>
    %logistic3A_190 = arith.negf %add3A_189 : vector<1280x256xf32>
    %logistic3A_191 = math.exp %logistic3A_190 : vector<1280x256xf32>
    %logistic3A_192 = arith.constant 1.000000e+00 : f32
    %logistic3A_193 = vector.broadcast %logistic3A_192 : f32 to vector<1280x256xf32>
    %logistic3A_194 = arith.addf %logistic3A_193, %logistic3A_191 : vector<1280x256xf32>
    %logistic3A_195 = arith.divf %logistic3A_193, %logistic3A_194 : vector<1280x256xf32>
    %slice3A_196 = vector.extract_strided_slice %add3A_177 {offsets = [0, 512], sizes = [1280, 256], strides = [1, 1]} : vector<1280x768xf32> to vector<1280x256xf32>
    %slice3A_197 = vector.extract_strided_slice %add3A_160 {offsets = [0, 512], sizes = [1280, 256], strides = [1, 1]} : vector<1280x768xf32> to vector<1280x256xf32>
    %mul3A_198 = arith.mulf %logistic3A_186, %slice3A_197 : vector<1280x256xf32>
    %add3A_199 = arith.addf %slice3A_196, %mul3A_198 : vector<1280x256xf32>
    %tanh3A_200 = math.tanh %add3A_199 : vector<1280x256xf32>
    %sub3A_201 = arith.constant 1.000000e+00 : f32
    %sub3A_202 = vector.broadcast %sub3A_201 : f32 to vector<1280x256xf32>
    %sub3A_203 = arith.subf %sub3A_202, %logistic3A_195 : vector<1280x256xf32>
    %mul3A_204 = arith.mulf %sub3A_203, %tanh3A_200 : vector<1280x256xf32>
    %mul3A_205 = arith.mulf %logistic3A_195, %add3A_149 : vector<1280x256xf32>
    %add3A_206 = arith.addf %mul3A_204, %mul3A_205 : vector<1280x256xf32>
    %convert_element_type3A_207 = arith.truncf %add3A_206 : vector<1280x256xf32> to vector<1280x256xbf16>
    %dot_general3A_208 = arith.constant dense<0.000000e+00> : vector<1280x256xf32>
    %dot_general3A_209 = tpu.matmul %convert_element_type3A_207, %get3A_22, %dot_general3A_208 {dimension_numbers = #tpu.dot_dimension_numbers<[1], [0], [0], [1], [0, 0, 1, 1], [], []>, transpose_lhs_hint = false} : vector<1280x256xbf16>, vector<256x256xbf16>, vector<1280x256xf32> -> vector<1280x256xf32>
    %slice3A_210 = vector.extract_strided_slice %dot_general3A_209 {offsets = [0, 0], sizes = [1280, 128], strides = [1, 1]} : vector<1280x256xf32> to vector<1280x128xf32>
    %dot_general3A_211 = arith.constant dense<0.000000e+00> : vector<1280x128xf32>
    %dot_general3A_212 = tpu.matmul %reshape3A, %get3A_25, %dot_general3A_211 {dimension_numbers = #tpu.dot_dimension_numbers<[1], [0], [0], [1], [0, 0, 1, 1], [], []>, transpose_lhs_hint = false} : vector<1280x45xbf16>, vector<45x128xbf16>, vector<1280x128xf32> -> vector<1280x128xf32>
    %add3A_213 = arith.addf %slice3A_210, %dot_general3A_212 : vector<1280x128xf32>
    %add3A_214 = vector.broadcast %get3A_28 : vector<1x128xf32> to vector<1280x128xf32>
    %add3A_215 = arith.addf %add3A_213, %add3A_214 : vector<1280x128xf32>
    %logistic3A_216 = arith.negf %add3A_215 : vector<1280x128xf32>
    %logistic3A_217 = math.exp %logistic3A_216 : vector<1280x128xf32>
    %logistic3A_218 = arith.constant 1.000000e+00 : f32
    %logistic3A_219 = vector.broadcast %logistic3A_218 : f32 to vector<1280x128xf32>
    %logistic3A_220 = arith.addf %logistic3A_219, %logistic3A_217 : vector<1280x128xf32>
    %logistic3A_221 = arith.divf %logistic3A_219, %logistic3A_220 : vector<1280x128xf32>
    %slice3A_222 = vector.extract_strided_slice %dot_general3A_209 {offsets = [0, 128], sizes = [1280, 128], strides = [1, 1]} : vector<1280x256xf32> to vector<1280x128xf32>
    %add3A_223 = vector.broadcast %get3A_31 : vector<1x128xf32> to vector<1280x128xf32>
    %add3A_224 = arith.addf %slice3A_222, %add3A_223 : vector<1280x128xf32>
    %mul3A_225 = arith.mulf %logistic3A_221, %add3A_224 : vector<1280x128xf32>
    %reshape3A_226 = vector.shape_cast %mul3A_225 : vector<1280x128xf32> to vector<32x40x128xf32>
    %iota3A = tpu.iota {dimensions = array<i32: 0>} : vector<40x128xi32>
    %lt3A = arith.constant 38 : i32
    %lt3A_227 = vector.broadcast %lt3A : i32 to vector<40x128xi32>
    %lt3A_228 = arith.cmpi slt, %iota3A, %lt3A_227 : vector<40x128xi32>
    %convert_element_type3A_229 = arith.extui %lt3A_228 : vector<40x128xi1> to vector<40x128xi32>
    %convert_element_type3A_230 = arith.sitofp %convert_element_type3A_229 : vector<40x128xi32> to vector<40x128xf32>
    %broadcast_in_dim3A = vector.shape_cast %convert_element_type3A_230 : vector<40x128xf32> to vector<1x40x128xf32>
    %mul3A_231 = vector.broadcast %broadcast_in_dim3A : vector<1x40x128xf32> to vector<32x40x128xf32>
    %mul3A_232 = arith.mulf %reshape3A_226, %mul3A_231 : vector<32x40x128xf32>
    %reduce_sum3A = arith.constant dense<0.000000e+00> : vector<32x128xf32>
    %reduce_sum3A_233 = vector.multi_reduction <add>, %mul3A_232, %reduce_sum3A [1] : vector<32x40x128xf32> to vector<32x128xf32>
    %swap3A = arith.constant 0 : index
    %swap3A_234 = arith.constant 0 : index
    %swap3A_235 = vector.load %arg14[%swap3A, %swap3A_234] : memref<32x128xf32, #tpu.memory_space<vmem>>, vector<32x128xf32>
    tpu.vector_store %arg14[%swap3A, %swap3A_234], %reduce_sum3A_233 {strides = array<i32>} : memref<32x128xf32, #tpu.memory_space<vmem>>, vector<32x128xf32>,
    %reshape3A_236 = vector.shape_cast %add3A_206 : vector<1280x256xf32> to vector<32x40x256xf32>
    %swap3A_237 = arith.constant 0 : index
    %swap3A_238 = arith.constant 0 : index
    %swap3A_239 = arith.constant 0 : index
    %swap3A_240 = vector.load %arg15[%swap3A_237, %swap3A_238, %swap3A_239] : memref<32x40x256xf32, #tpu.memory_space<vmem>>, vector<32x40x256xf32>
    tpu.vector_store %arg15[%swap3A_237, %swap3A_238, %swap3A_239], %reshape3A_236 {strides = array<i32>} : memref<32x40x256xf32, #tpu.memory_space<vmem>>, vector<32x40x256xf32>,
    return
  }
  func.func @transform_0(%arg0: i32) -> (i32, i32, i32) {
    %c0_i32 = arith.constant 0 : i32
    %c0_i32_0 = arith.constant 0 : i32
    %c0_i32_1 = arith.constant 0 : i32
    return %arg0, %c0_i32, %c0_i32_0 : i32, i32, i32
  }
  func.func @transform_1(%arg0: i32) -> (i32, i32, i32) {
    %c0_i32 = arith.constant 0 : i32
    %c0_i32_0 = arith.constant 0 : i32
    %c0_i32_1 = arith.constant 0 : i32
    return %arg0, %c0_i32, %c0_i32_0 : i32, i32, i32
  }
  func.func @transform_2(%arg0: i32) -> (i32, i32) {
    %c0_i32 = arith.constant 0 : i32
    %c0_i32_0 = arith.constant 0 : i32
    %c0_i32_1 = arith.constant 0 : i32
    return %c0_i32, %c0_i32_0 : i32, i32
  }
  func.func @transform_3(%arg0: i32) -> (i32, i32) {
    %c0_i32 = arith.constant 0 : i32
    %c0_i32_0 = arith.constant 0 : i32
    %c0_i32_1 = arith.constant 0 : i32
    return %c0_i32, %c0_i32_0 : i32, i32
  }
  func.func @transform_4(%arg0: i32) -> (i32, i32) {
    %c0_i32 = arith.constant 0 : i32
    %c0_i32_0 = arith.constant 0 : i32
    %c0_i32_1 = arith.constant 0 : i32
    return %c0_i32, %c0_i32_0 : i32, i32
  }
  func.func @transform_5(%arg0: i32) -> (i32, i32) {
    %c0_i32 = arith.constant 0 : i32
    %c0_i32_0 = arith.constant 0 : i32
    %c0_i32_1 = arith.constant 0 : i32
    return %c0_i32, %c0_i32_0 : i32, i32
  }
  func.func @transform_6(%arg0: i32) -> (i32, i32) {
    %c0_i32 = arith.constant 0 : i32
    %c0_i32_0 = arith.constant 0 : i32
    %c0_i32_1 = arith.constant 0 : i32
    return %c0_i32, %c0_i32_0 : i32, i32
  }
  func.func @transform_7(%arg0: i32) -> (i32, i32) {
    %c0_i32 = arith.constant 0 : i32
    %c0_i32_0 = arith.constant 0 : i32
    %c0_i32_1 = arith.constant 0 : i32
    return %c0_i32, %c0_i32_0 : i32, i32
  }
  func.func @transform_8(%arg0: i32) -> (i32, i32) {
    %c0_i32 = arith.constant 0 : i32
    %c0_i32_0 = arith.constant 0 : i32
    %c0_i32_1 = arith.constant 0 : i32
    return %c0_i32, %c0_i32_0 : i32, i32
  }
  func.func @transform_9(%arg0: i32) -> (i32, i32) {
    %c0_i32 = arith.constant 0 : i32
    %c0_i32_0 = arith.constant 0 : i32
    %c0_i32_1 = arith.constant 0 : i32
    return %c0_i32, %c0_i32_0 : i32, i32
  }
  func.func @transform_10(%arg0: i32) -> (i32, i32) {
    %c0_i32 = arith.constant 0 : i32
    %c0_i32_0 = arith.constant 0 : i32
    %c0_i32_1 = arith.constant 0 : i32
    return %c0_i32, %c0_i32_0 : i32, i32
  }
  func.func @transform_11(%arg0: i32) -> (i32, i32) {
    %c0_i32 = arith.constant 0 : i32
    %c0_i32_0 = arith.constant 0 : i32
    %c0_i32_1 = arith.constant 0 : i32
    return %c0_i32, %c0_i32_0 : i32, i32
  }
  func.func @transform_12(%arg0: i32) -> (i32, i32) {
    %c0_i32 = arith.constant 0 : i32
    %c0_i32_0 = arith.constant 0 : i32
    %c0_i32_1 = arith.constant 0 : i32
    return %c0_i32, %c0_i32_0 : i32, i32
  }
  func.func @transform_13(%arg0: i32) -> (i32, i32) {
    %c0_i32 = arith.constant 0 : i32
    %c0_i32_0 = arith.constant 0 : i32
    return %arg0, %c0_i32 : i32, i32
  }
  func.func @transform_14(%arg0: i32) -> (i32, i32, i32) {
    %c0_i32 = arith.constant 0 : i32
    %c0_i32_0 = arith.constant 0 : i32
    %c0_i32_1 = arith.constant 0 : i32
    return %arg0, %c0_i32, %c0_i32_0 : i32, i32, i32
  }
}

module attributes {stable_mosaic.version = 14 : i64} {
  func.func @_mol_body(%arg0: i32, %arg1: memref<32x40x45xbf16, #tpu.memory_space<vmem>>, %arg2: memref<32x40x160xbf16, #tpu.memory_space<vmem>>, %arg3: memref<45x256xbf16, #tpu.memory_space<vmem>>, %arg4: memref<1x256xf32, #tpu.memory_space<vmem>>, %arg5: memref<256x1792xbf16, #tpu.memory_space<vmem>>, %arg6: memref<1x1024xf32, #tpu.memory_space<vmem>>, %arg7: memref<256x768xbf16, #tpu.memory_space<vmem>>, %arg8: memref<1x768xf32, #tpu.memory_space<vmem>>, %arg9: memref<1x768xf32, #tpu.memory_space<vmem>>, %arg10: memref<256x256xbf16, #tpu.memory_space<vmem>>, %arg11: memref<45x128xbf16, #tpu.memory_space<vmem>>, %arg12: memref<1x128xf32, #tpu.memory_space<vmem>>, %arg13: memref<1x128xf32, #tpu.memory_space<vmem>>, %arg14: memref<256x512xbf16, #tpu.memory_space<vmem>>, %arg15: memref<1x512xf32, #tpu.memory_space<vmem>>, %arg16: memref<512x512xbf16, #tpu.memory_space<vmem>>, %arg17: memref<1x512xf32, #tpu.memory_space<vmem>>, %arg18: memref<512x512xbf16, #tpu.memory_space<vmem>>, %arg19: memref<1x512xf32, #tpu.memory_space<vmem>>, %arg20: memref<512x512xbf16, #tpu.memory_space<vmem>>, %arg21: memref<1x512xf32, #tpu.memory_space<vmem>>, %arg22: memref<512x64xbf16, #tpu.memory_space<vmem>>, %arg23: memref<1x64xf32, #tpu.memory_space<vmem>>, %arg24: memref<32x128xf32, #tpu.memory_space<vmem>>, %arg25: memref<32x38x64xf32, #tpu.memory_space<vmem>>) attributes {dimension_semantics = [#tpu.dimension_semantics<parallel>], iteration_bounds = array<i64: 32>, scalar_prefetch = 0 : i64, scratch_operands = 0 : i64, tpu.core_type = #tpu.core_type<tc>, window_params = [{transform_indices = @transform_0, window_bounds = array<i64: 32, 40, 45>}, {transform_indices = @transform_1, window_bounds = array<i64: 32, 40, 160>}, {pipeline_mode = #tpu.pipeline_mode<synchronous>, transform_indices = @transform_2, window_bounds = array<i64: 45, 256>}, {pipeline_mode = #tpu.pipeline_mode<synchronous>, transform_indices = @transform_3, window_bounds = array<i64: 1, 256>}, {pipeline_mode = #tpu.pipeline_mode<synchronous>, transform_indices = @transform_4, window_bounds = array<i64: 256, 1792>}, {pipeline_mode = #tpu.pipeline_mode<synchronous>, transform_indices = @transform_5, window_bounds = array<i64: 1, 1024>}, {pipeline_mode = #tpu.pipeline_mode<synchronous>, transform_indices = @transform_6, window_bounds = array<i64: 256, 768>}, {pipeline_mode = #tpu.pipeline_mode<synchronous>, transform_indices = @transform_7, window_bounds = array<i64: 1, 768>}, {pipeline_mode = #tpu.pipeline_mode<synchronous>, transform_indices = @transform_8, window_bounds = array<i64: 1, 768>}, {pipeline_mode = #tpu.pipeline_mode<synchronous>, transform_indices = @transform_9, window_bounds = array<i64: 256, 256>}, {pipeline_mode = #tpu.pipeline_mode<synchronous>, transform_indices = @transform_10, window_bounds = array<i64: 45, 128>}, {pipeline_mode = #tpu.pipeline_mode<synchronous>, transform_indices = @transform_11, window_bounds = array<i64: 1, 128>}, {pipeline_mode = #tpu.pipeline_mode<synchronous>, transform_indices = @transform_12, window_bounds = array<i64: 1, 128>}, {pipeline_mode = #tpu.pipeline_mode<synchronous>, transform_indices = @transform_13, window_bounds = array<i64: 256, 512>}, {pipeline_mode = #tpu.pipeline_mode<synchronous>, transform_indices = @transform_14, window_bounds = array<i64: 1, 512>}, {pipeline_mode = #tpu.pipeline_mode<synchronous>, transform_indices = @transform_15, window_bounds = array<i64: 512, 512>}, {pipeline_mode = #tpu.pipeline_mode<synchronous>, transform_indices = @transform_16, window_bounds = array<i64: 1, 512>}, {pipeline_mode = #tpu.pipeline_mode<synchronous>, transform_indices = @transform_17, window_bounds = array<i64: 512, 512>}, {pipeline_mode = #tpu.pipeline_mode<synchronous>, transform_indices = @transform_18, window_bounds = array<i64: 1, 512>}, {pipeline_mode = #tpu.pipeline_mode<synchronous>, transform_indices = @transform_19, window_bounds = array<i64: 512, 512>}, {pipeline_mode = #tpu.pipeline_mode<synchronous>, transform_indices = @transform_20, window_bounds = array<i64: 1, 512>}, {pipeline_mode = #tpu.pipeline_mode<synchronous>, transform_indices = @transform_21, window_bounds = array<i64: 512, 64>}, {pipeline_mode = #tpu.pipeline_mode<synchronous>, transform_indices = @transform_22, window_bounds = array<i64: 1, 64>}, {transform_indices = @transform_23, window_bounds = array<i64: 32, 128>}, {transform_indices = @transform_24, window_bounds = array<i64: 32, 38, 64>}]} {
    %get3A = arith.constant 0 : index
    %get3A_0 = arith.constant 0 : index
    %get3A_1 = vector.load %arg3[%get3A, %get3A_0] : memref<45x256xbf16, #tpu.memory_space<vmem>>, vector<45x256xbf16>
    %get3A_2 = arith.constant 0 : index
    %get3A_3 = arith.constant 0 : index
    %get3A_4 = vector.load %arg4[%get3A_2, %get3A_3] : memref<1x256xf32, #tpu.memory_space<vmem>>, vector<1x256xf32>
    %get3A_5 = arith.constant 0 : index
    %get3A_6 = arith.constant 0 : index
    %get3A_7 = vector.load %arg5[%get3A_5, %get3A_6] : memref<256x1792xbf16, #tpu.memory_space<vmem>>, vector<256x1792xbf16>
    %get3A_8 = arith.constant 0 : index
    %get3A_9 = arith.constant 0 : index
    %get3A_10 = vector.load %arg6[%get3A_8, %get3A_9] : memref<1x1024xf32, #tpu.memory_space<vmem>>, vector<1x1024xf32>
    %get3A_11 = arith.constant 0 : index
    %get3A_12 = arith.constant 0 : index
    %get3A_13 = vector.load %arg7[%get3A_11, %get3A_12] : memref<256x768xbf16, #tpu.memory_space<vmem>>, vector<256x768xbf16>
    %get3A_14 = arith.constant 0 : index
    %get3A_15 = arith.constant 0 : index
    %get3A_16 = vector.load %arg8[%get3A_14, %get3A_15] : memref<1x768xf32, #tpu.memory_space<vmem>>, vector<1x768xf32>
    %get3A_17 = arith.constant 0 : index
    %get3A_18 = arith.constant 0 : index
    %get3A_19 = vector.load %arg9[%get3A_17, %get3A_18] : memref<1x768xf32, #tpu.memory_space<vmem>>, vector<1x768xf32>
    %get3A_20 = arith.constant 0 : index
    %get3A_21 = arith.constant 0 : index
    %get3A_22 = vector.load %arg10[%get3A_20, %get3A_21] : memref<256x256xbf16, #tpu.memory_space<vmem>>, vector<256x256xbf16>
    %get3A_23 = arith.constant 0 : index
    %get3A_24 = arith.constant 0 : index
    %get3A_25 = vector.load %arg11[%get3A_23, %get3A_24] : memref<45x128xbf16, #tpu.memory_space<vmem>>, vector<45x128xbf16>
    %get3A_26 = arith.constant 0 : index
    %get3A_27 = arith.constant 0 : index
    %get3A_28 = vector.load %arg12[%get3A_26, %get3A_27] : memref<1x128xf32, #tpu.memory_space<vmem>>, vector<1x128xf32>
    %get3A_29 = arith.constant 0 : index
    %get3A_30 = arith.constant 0 : index
    %get3A_31 = vector.load %arg13[%get3A_29, %get3A_30] : memref<1x128xf32, #tpu.memory_space<vmem>>, vector<1x128xf32>
    %get3A_32 = arith.constant 0 : index
    %get3A_33 = arith.constant 0 : index
    %get3A_34 = arith.constant 0 : index
    %get3A_35 = vector.load %arg1[%get3A_32, %get3A_33, %get3A_34] : memref<32x40x45xbf16, #tpu.memory_space<vmem>>, vector<32x40x45xbf16>
    %get3A_36 = arith.constant 0 : index
    %get3A_37 = arith.constant 0 : index
    %get3A_38 = arith.constant 0 : index
    %get3A_39 = vector.load %arg2[%get3A_36, %get3A_37, %get3A_38] : memref<32x40x160xbf16, #tpu.memory_space<vmem>>, vector<32x40x160xbf16>
    %reshape3A = vector.shape_cast %get3A_35 : vector<32x40x45xbf16> to vector<1280x45xbf16>
    %dot_general3A = arith.constant dense<0.000000e+00> : vector<1280x256xf32>
    %dot_general3A_40 = tpu.matmul %reshape3A, %get3A_1, %dot_general3A {dimension_numbers = #tpu.dot_dimension_numbers<[1], [0], [0], [1], [0, 0, 1, 1], [], []>, transpose_lhs_hint = false} : vector<1280x45xbf16>, vector<45x256xbf16>, vector<1280x256xf32> -> vector<1280x256xf32>
    %add3A = vector.broadcast %get3A_4 : vector<1x256xf32> to vector<1280x256xf32>
    %add3A_41 = arith.addf %dot_general3A_40, %add3A : vector<1280x256xf32>
    %tanh3A = math.tanh %add3A_41 : vector<1280x256xf32>
    %convert_element_type3A = arith.truncf %tanh3A : vector<1280x256xf32> to vector<1280x256xbf16>
    %dot_general3A_42 = arith.constant dense<0.000000e+00> : vector<1280x1792xf32>
    %dot_general3A_43 = tpu.matmul %convert_element_type3A, %get3A_7, %dot_general3A_42 {dimension_numbers = #tpu.dot_dimension_numbers<[1], [0], [0], [1], [0, 0, 1, 1], [], []>, transpose_lhs_hint = false} : vector<1280x256xbf16>, vector<256x1792xbf16>, vector<1280x1792xf32> -> vector<1280x1792xf32>
    %slice3A = vector.extract_strided_slice %dot_general3A_43 {offsets = [0, 0], sizes = [1280, 1024], strides = [1, 1]} : vector<1280x1792xf32> to vector<1280x1024xf32>
    %add3A_44 = vector.broadcast %get3A_10 : vector<1x1024xf32> to vector<1280x1024xf32>
    %add3A_45 = arith.addf %slice3A, %add3A_44 : vector<1280x1024xf32>
    %convert_element_type3A_46 = arith.truncf %add3A_45 : vector<1280x1024xf32> to vector<1280x1024xbf16>
    %convert_element_type3A_47 = arith.extf %convert_element_type3A_46 : vector<1280x1024xbf16> to vector<1280x1024xf32>
    %slice3A_48 = vector.extract_strided_slice %dot_general3A_43 {offsets = [0, 1024], sizes = [1280, 768], strides = [1, 1]} : vector<1280x1792xf32> to vector<1280x768xf32>
    %add3A_49 = vector.broadcast %get3A_19 : vector<1x768xf32> to vector<1280x768xf32>
    %add3A_50 = arith.addf %slice3A_48, %add3A_49 : vector<1280x768xf32>
    %reshape3A_51 = vector.shape_cast %convert_element_type3A_47 : vector<1280x1024xf32> to vector<32x40x1024xf32>
    %slice3A_52 = vector.extract_strided_slice %reshape3A_51 {offsets = [0, 0, 0], sizes = [32, 40, 256], strides = [1, 1, 1]} : vector<32x40x1024xf32> to vector<32x40x256xf32>
    %slice3A_53 = vector.extract_strided_slice %reshape3A_51 {offsets = [0, 0, 256], sizes = [32, 40, 256], strides = [1, 1, 1]} : vector<32x40x1024xf32> to vector<32x40x256xf32>
    %slice3A_54 = vector.extract_strided_slice %reshape3A_51 {offsets = [0, 0, 512], sizes = [32, 40, 256], strides = [1, 1, 1]} : vector<32x40x1024xf32> to vector<32x40x256xf32>
    %slice3A_55 = vector.extract_strided_slice %reshape3A_51 {offsets = [0, 0, 768], sizes = [32, 40, 256], strides = [1, 1, 1]} : vector<32x40x1024xf32> to vector<32x40x256xf32>
    %concatenate3A = tpu.concatenate %slice3A_52, %slice3A_53, %slice3A_54, %slice3A_55 in 1 : vector<32x40x256xf32>, vector<32x40x256xf32>, vector<32x40x256xf32>, vector<32x40x256xf32> -> vector<32x160x256xf32>
    %convert_element_type3A_56 = arith.truncf %concatenate3A : vector<32x160x256xf32> to vector<32x160x256xbf16>
    %dot_general3A_57 = arith.constant dense<0.000000e+00> : vector<32x40x256xf32>
    %dot_general3A_58 = tpu.matmul %get3A_39, %convert_element_type3A_56, %dot_general3A_57 {dimension_numbers = #tpu.dot_dimension_numbers<[2], [1], [1], [2], [0, 0, 0, 1, 1, 2], [0], [0]>, transpose_lhs_hint = false} : vector<32x40x160xbf16>, vector<32x160x256xbf16>, vector<32x40x256xf32> -> vector<32x40x256xf32>
    %reshape3A_59 = vector.shape_cast %dot_general3A_58 : vector<32x40x256xf32> to vector<1280x256xf32>
    %convert_element_type3A_60 = arith.truncf %reshape3A_59 : vector<1280x256xf32> to vector<1280x256xbf16>
    %convert_element_type3A_61 = arith.extf %convert_element_type3A_60 : vector<1280x256xbf16> to vector<1280x256xf32>
    %convert_element_type3A_62 = arith.truncf %convert_element_type3A_61 : vector<1280x256xf32> to vector<1280x256xbf16>
    %dot_general3A_63 = arith.constant dense<0.000000e+00> : vector<1280x768xf32>
    %dot_general3A_64 = tpu.matmul %convert_element_type3A_62, %get3A_13, %dot_general3A_63 {dimension_numbers = #tpu.dot_dimension_numbers<[1], [0], [0], [1], [0, 0, 1, 1], [], []>, transpose_lhs_hint = false} : vector<1280x256xbf16>, vector<256x768xbf16>, vector<1280x768xf32> -> vector<1280x768xf32>
    %add3A_65 = vector.broadcast %get3A_16 : vector<1x768xf32> to vector<1280x768xf32>
    %add3A_66 = arith.addf %dot_general3A_64, %add3A_65 : vector<1280x768xf32>
    %slice3A_67 = vector.extract_strided_slice %add3A_66 {offsets = [0, 0], sizes = [1280, 256], strides = [1, 1]} : vector<1280x768xf32> to vector<1280x256xf32>
    %slice3A_68 = vector.extract_strided_slice %add3A_50 {offsets = [0, 0], sizes = [1280, 256], strides = [1, 1]} : vector<1280x768xf32> to vector<1280x256xf32>
    %add3A_69 = arith.addf %slice3A_67, %slice3A_68 : vector<1280x256xf32>
    %logistic3A = arith.negf %add3A_69 : vector<1280x256xf32>
    %logistic3A_70 = math.exp %logistic3A : vector<1280x256xf32>
    %logistic3A_71 = arith.constant 1.000000e+00 : f32
    %logistic3A_72 = vector.broadcast %logistic3A_71 : f32 to vector<1280x256xf32>
    %logistic3A_73 = arith.addf %logistic3A_72, %logistic3A_70 : vector<1280x256xf32>
    %logistic3A_74 = arith.divf %logistic3A_72, %logistic3A_73 : vector<1280x256xf32>
    %slice3A_75 = vector.extract_strided_slice %add3A_66 {offsets = [0, 256], sizes = [1280, 256], strides = [1, 1]} : vector<1280x768xf32> to vector<1280x256xf32>
    %slice3A_76 = vector.extract_strided_slice %add3A_50 {offsets = [0, 256], sizes = [1280, 256], strides = [1, 1]} : vector<1280x768xf32> to vector<1280x256xf32>
    %add3A_77 = arith.addf %slice3A_75, %slice3A_76 : vector<1280x256xf32>
    %logistic3A_78 = arith.negf %add3A_77 : vector<1280x256xf32>
    %logistic3A_79 = math.exp %logistic3A_78 : vector<1280x256xf32>
    %logistic3A_80 = arith.constant 1.000000e+00 : f32
    %logistic3A_81 = vector.broadcast %logistic3A_80 : f32 to vector<1280x256xf32>
    %logistic3A_82 = arith.addf %logistic3A_81, %logistic3A_79 : vector<1280x256xf32>
    %logistic3A_83 = arith.divf %logistic3A_81, %logistic3A_82 : vector<1280x256xf32>
    %slice3A_84 = vector.extract_strided_slice %add3A_66 {offsets = [0, 512], sizes = [1280, 256], strides = [1, 1]} : vector<1280x768xf32> to vector<1280x256xf32>
    %slice3A_85 = vector.extract_strided_slice %add3A_50 {offsets = [0, 512], sizes = [1280, 256], strides = [1, 1]} : vector<1280x768xf32> to vector<1280x256xf32>
    %mul3A = arith.mulf %logistic3A_74, %slice3A_85 : vector<1280x256xf32>
    %add3A_86 = arith.addf %slice3A_84, %mul3A : vector<1280x256xf32>
    %tanh3A_87 = math.tanh %add3A_86 : vector<1280x256xf32>
    %sub3A = arith.constant 1.000000e+00 : f32
    %sub3A_88 = vector.broadcast %sub3A : f32 to vector<1280x256xf32>
    %sub3A_89 = arith.subf %sub3A_88, %logistic3A_83 : vector<1280x256xf32>
    %mul3A_90 = arith.mulf %sub3A_89, %tanh3A_87 : vector<1280x256xf32>
    %mul3A_91 = arith.mulf %logistic3A_83, %tanh3A : vector<1280x256xf32>
    %add3A_92 = arith.addf %mul3A_90, %mul3A_91 : vector<1280x256xf32>
    %convert_element_type3A_93 = arith.truncf %add3A_92 : vector<1280x256xf32> to vector<1280x256xbf16>
    %dot_general3A_94 = arith.constant dense<0.000000e+00> : vector<1280x1792xf32>
    %dot_general3A_95 = tpu.matmul %convert_element_type3A_93, %get3A_7, %dot_general3A_94 {dimension_numbers = #tpu.dot_dimension_numbers<[1], [0], [0], [1], [0, 0, 1, 1], [], []>, transpose_lhs_hint = false} : vector<1280x256xbf16>, vector<256x1792xbf16>, vector<1280x1792xf32> -> vector<1280x1792xf32>
    %slice3A_96 = vector.extract_strided_slice %dot_general3A_95 {offsets = [0, 0], sizes = [1280, 1024], strides = [1, 1]} : vector<1280x1792xf32> to vector<1280x1024xf32>
    %add3A_97 = vector.broadcast %get3A_10 : vector<1x1024xf32> to vector<1280x1024xf32>
    %add3A_98 = arith.addf %slice3A_96, %add3A_97 : vector<1280x1024xf32>
    %convert_element_type3A_99 = arith.truncf %add3A_98 : vector<1280x1024xf32> to vector<1280x1024xbf16>
    %convert_element_type3A_100 = arith.extf %convert_element_type3A_99 : vector<1280x1024xbf16> to vector<1280x1024xf32>
    %slice3A_101 = vector.extract_strided_slice %dot_general3A_95 {offsets = [0, 1024], sizes = [1280, 768], strides = [1, 1]} : vector<1280x1792xf32> to vector<1280x768xf32>
    %add3A_102 = vector.broadcast %get3A_19 : vector<1x768xf32> to vector<1280x768xf32>
    %add3A_103 = arith.addf %slice3A_101, %add3A_102 : vector<1280x768xf32>
    %reshape3A_104 = vector.shape_cast %convert_element_type3A_100 : vector<1280x1024xf32> to vector<32x40x1024xf32>
    %slice3A_105 = vector.extract_strided_slice %reshape3A_104 {offsets = [0, 0, 0], sizes = [32, 40, 256], strides = [1, 1, 1]} : vector<32x40x1024xf32> to vector<32x40x256xf32>
    %slice3A_106 = vector.extract_strided_slice %reshape3A_104 {offsets = [0, 0, 256], sizes = [32, 40, 256], strides = [1, 1, 1]} : vector<32x40x1024xf32> to vector<32x40x256xf32>
    %slice3A_107 = vector.extract_strided_slice %reshape3A_104 {offsets = [0, 0, 512], sizes = [32, 40, 256], strides = [1, 1, 1]} : vector<32x40x1024xf32> to vector<32x40x256xf32>
    %slice3A_108 = vector.extract_strided_slice %reshape3A_104 {offsets = [0, 0, 768], sizes = [32, 40, 256], strides = [1, 1, 1]} : vector<32x40x1024xf32> to vector<32x40x256xf32>
    %concatenate3A_109 = tpu.concatenate %slice3A_105, %slice3A_106, %slice3A_107, %slice3A_108 in 1 : vector<32x40x256xf32>, vector<32x40x256xf32>, vector<32x40x256xf32>, vector<32x40x256xf32> -> vector<32x160x256xf32>
    %convert_element_type3A_110 = arith.truncf %concatenate3A_109 : vector<32x160x256xf32> to vector<32x160x256xbf16>
    %dot_general3A_111 = arith.constant dense<0.000000e+00> : vector<32x40x256xf32>
    %dot_general3A_112 = tpu.matmul %get3A_39, %convert_element_type3A_110, %dot_general3A_111 {dimension_numbers = #tpu.dot_dimension_numbers<[2], [1], [1], [2], [0, 0, 0, 1, 1, 2], [0], [0]>, transpose_lhs_hint = false} : vector<32x40x160xbf16>, vector<32x160x256xbf16>, vector<32x40x256xf32> -> vector<32x40x256xf32>
    %reshape3A_113 = vector.shape_cast %dot_general3A_112 : vector<32x40x256xf32> to vector<1280x256xf32>
    %convert_element_type3A_114 = arith.truncf %reshape3A_113 : vector<1280x256xf32> to vector<1280x256xbf16>
    %convert_element_type3A_115 = arith.extf %convert_element_type3A_114 : vector<1280x256xbf16> to vector<1280x256xf32>
    %convert_element_type3A_116 = arith.truncf %convert_element_type3A_115 : vector<1280x256xf32> to vector<1280x256xbf16>
    %dot_general3A_117 = arith.constant dense<0.000000e+00> : vector<1280x768xf32>
    %dot_general3A_118 = tpu.matmul %convert_element_type3A_116, %get3A_13, %dot_general3A_117 {dimension_numbers = #tpu.dot_dimension_numbers<[1], [0], [0], [1], [0, 0, 1, 1], [], []>, transpose_lhs_hint = false} : vector<1280x256xbf16>, vector<256x768xbf16>, vector<1280x768xf32> -> vector<1280x768xf32>
    %add3A_119 = vector.broadcast %get3A_16 : vector<1x768xf32> to vector<1280x768xf32>
    %add3A_120 = arith.addf %dot_general3A_118, %add3A_119 : vector<1280x768xf32>
    %slice3A_121 = vector.extract_strided_slice %add3A_120 {offsets = [0, 0], sizes = [1280, 256], strides = [1, 1]} : vector<1280x768xf32> to vector<1280x256xf32>
    %slice3A_122 = vector.extract_strided_slice %add3A_103 {offsets = [0, 0], sizes = [1280, 256], strides = [1, 1]} : vector<1280x768xf32> to vector<1280x256xf32>
    %add3A_123 = arith.addf %slice3A_121, %slice3A_122 : vector<1280x256xf32>
    %logistic3A_124 = arith.negf %add3A_123 : vector<1280x256xf32>
    %logistic3A_125 = math.exp %logistic3A_124 : vector<1280x256xf32>
    %logistic3A_126 = arith.constant 1.000000e+00 : f32
    %logistic3A_127 = vector.broadcast %logistic3A_126 : f32 to vector<1280x256xf32>
    %logistic3A_128 = arith.addf %logistic3A_127, %logistic3A_125 : vector<1280x256xf32>
    %logistic3A_129 = arith.divf %logistic3A_127, %logistic3A_128 : vector<1280x256xf32>
    %slice3A_130 = vector.extract_strided_slice %add3A_120 {offsets = [0, 256], sizes = [1280, 256], strides = [1, 1]} : vector<1280x768xf32> to vector<1280x256xf32>
    %slice3A_131 = vector.extract_strided_slice %add3A_103 {offsets = [0, 256], sizes = [1280, 256], strides = [1, 1]} : vector<1280x768xf32> to vector<1280x256xf32>
    %add3A_132 = arith.addf %slice3A_130, %slice3A_131 : vector<1280x256xf32>
    %logistic3A_133 = arith.negf %add3A_132 : vector<1280x256xf32>
    %logistic3A_134 = math.exp %logistic3A_133 : vector<1280x256xf32>
    %logistic3A_135 = arith.constant 1.000000e+00 : f32
    %logistic3A_136 = vector.broadcast %logistic3A_135 : f32 to vector<1280x256xf32>
    %logistic3A_137 = arith.addf %logistic3A_136, %logistic3A_134 : vector<1280x256xf32>
    %logistic3A_138 = arith.divf %logistic3A_136, %logistic3A_137 : vector<1280x256xf32>
    %slice3A_139 = vector.extract_strided_slice %add3A_120 {offsets = [0, 512], sizes = [1280, 256], strides = [1, 1]} : vector<1280x768xf32> to vector<1280x256xf32>
    %slice3A_140 = vector.extract_strided_slice %add3A_103 {offsets = [0, 512], sizes = [1280, 256], strides = [1, 1]} : vector<1280x768xf32> to vector<1280x256xf32>
    %mul3A_141 = arith.mulf %logistic3A_129, %slice3A_140 : vector<1280x256xf32>
    %add3A_142 = arith.addf %slice3A_139, %mul3A_141 : vector<1280x256xf32>
    %tanh3A_143 = math.tanh %add3A_142 : vector<1280x256xf32>
    %sub3A_144 = arith.constant 1.000000e+00 : f32
    %sub3A_145 = vector.broadcast %sub3A_144 : f32 to vector<1280x256xf32>
    %sub3A_146 = arith.subf %sub3A_145, %logistic3A_138 : vector<1280x256xf32>
    %mul3A_147 = arith.mulf %sub3A_146, %tanh3A_143 : vector<1280x256xf32>
    %mul3A_148 = arith.mulf %logistic3A_138, %add3A_92 : vector<1280x256xf32>
    %add3A_149 = arith.addf %mul3A_147, %mul3A_148 : vector<1280x256xf32>
    %convert_element_type3A_150 = arith.truncf %add3A_149 : vector<1280x256xf32> to vector<1280x256xbf16>
    %dot_general3A_151 = arith.constant dense<0.000000e+00> : vector<1280x1792xf32>
    %dot_general3A_152 = tpu.matmul %convert_element_type3A_150, %get3A_7, %dot_general3A_151 {dimension_numbers = #tpu.dot_dimension_numbers<[1], [0], [0], [1], [0, 0, 1, 1], [], []>, transpose_lhs_hint = false} : vector<1280x256xbf16>, vector<256x1792xbf16>, vector<1280x1792xf32> -> vector<1280x1792xf32>
    %slice3A_153 = vector.extract_strided_slice %dot_general3A_152 {offsets = [0, 0], sizes = [1280, 1024], strides = [1, 1]} : vector<1280x1792xf32> to vector<1280x1024xf32>
    %add3A_154 = vector.broadcast %get3A_10 : vector<1x1024xf32> to vector<1280x1024xf32>
    %add3A_155 = arith.addf %slice3A_153, %add3A_154 : vector<1280x1024xf32>
    %convert_element_type3A_156 = arith.truncf %add3A_155 : vector<1280x1024xf32> to vector<1280x1024xbf16>
    %convert_element_type3A_157 = arith.extf %convert_element_type3A_156 : vector<1280x1024xbf16> to vector<1280x1024xf32>
    %slice3A_158 = vector.extract_strided_slice %dot_general3A_152 {offsets = [0, 1024], sizes = [1280, 768], strides = [1, 1]} : vector<1280x1792xf32> to vector<1280x768xf32>
    %add3A_159 = vector.broadcast %get3A_19 : vector<1x768xf32> to vector<1280x768xf32>
    %add3A_160 = arith.addf %slice3A_158, %add3A_159 : vector<1280x768xf32>
    %reshape3A_161 = vector.shape_cast %convert_element_type3A_157 : vector<1280x1024xf32> to vector<32x40x1024xf32>
    %slice3A_162 = vector.extract_strided_slice %reshape3A_161 {offsets = [0, 0, 0], sizes = [32, 40, 256], strides = [1, 1, 1]} : vector<32x40x1024xf32> to vector<32x40x256xf32>
    %slice3A_163 = vector.extract_strided_slice %reshape3A_161 {offsets = [0, 0, 256], sizes = [32, 40, 256], strides = [1, 1, 1]} : vector<32x40x1024xf32> to vector<32x40x256xf32>
    %slice3A_164 = vector.extract_strided_slice %reshape3A_161 {offsets = [0, 0, 512], sizes = [32, 40, 256], strides = [1, 1, 1]} : vector<32x40x1024xf32> to vector<32x40x256xf32>
    %slice3A_165 = vector.extract_strided_slice %reshape3A_161 {offsets = [0, 0, 768], sizes = [32, 40, 256], strides = [1, 1, 1]} : vector<32x40x1024xf32> to vector<32x40x256xf32>
    %concatenate3A_166 = tpu.concatenate %slice3A_162, %slice3A_163, %slice3A_164, %slice3A_165 in 1 : vector<32x40x256xf32>, vector<32x40x256xf32>, vector<32x40x256xf32>, vector<32x40x256xf32> -> vector<32x160x256xf32>
    %convert_element_type3A_167 = arith.truncf %concatenate3A_166 : vector<32x160x256xf32> to vector<32x160x256xbf16>
    %dot_general3A_168 = arith.constant dense<0.000000e+00> : vector<32x40x256xf32>
    %dot_general3A_169 = tpu.matmul %get3A_39, %convert_element_type3A_167, %dot_general3A_168 {dimension_numbers = #tpu.dot_dimension_numbers<[2], [1], [1], [2], [0, 0, 0, 1, 1, 2], [0], [0]>, transpose_lhs_hint = false} : vector<32x40x160xbf16>, vector<32x160x256xbf16>, vector<32x40x256xf32> -> vector<32x40x256xf32>
    %reshape3A_170 = vector.shape_cast %dot_general3A_169 : vector<32x40x256xf32> to vector<1280x256xf32>
    %convert_element_type3A_171 = arith.truncf %reshape3A_170 : vector<1280x256xf32> to vector<1280x256xbf16>
    %convert_element_type3A_172 = arith.extf %convert_element_type3A_171 : vector<1280x256xbf16> to vector<1280x256xf32>
    %convert_element_type3A_173 = arith.truncf %convert_element_type3A_172 : vector<1280x256xf32> to vector<1280x256xbf16>
    %dot_general3A_174 = arith.constant dense<0.000000e+00> : vector<1280x768xf32>
    %dot_general3A_175 = tpu.matmul %convert_element_type3A_173, %get3A_13, %dot_general3A_174 {dimension_numbers = #tpu.dot_dimension_numbers<[1], [0], [0], [1], [0, 0, 1, 1], [], []>, transpose_lhs_hint = false} : vector<1280x256xbf16>, vector<256x768xbf16>, vector<1280x768xf32> -> vector<1280x768xf32>
    %add3A_176 = vector.broadcast %get3A_16 : vector<1x768xf32> to vector<1280x768xf32>
    %add3A_177 = arith.addf %dot_general3A_175, %add3A_176 : vector<1280x768xf32>
    %slice3A_178 = vector.extract_strided_slice %add3A_177 {offsets = [0, 0], sizes = [1280, 256], strides = [1, 1]} : vector<1280x768xf32> to vector<1280x256xf32>
    %slice3A_179 = vector.extract_strided_slice %add3A_160 {offsets = [0, 0], sizes = [1280, 256], strides = [1, 1]} : vector<1280x768xf32> to vector<1280x256xf32>
    %add3A_180 = arith.addf %slice3A_178, %slice3A_179 : vector<1280x256xf32>
    %logistic3A_181 = arith.negf %add3A_180 : vector<1280x256xf32>
    %logistic3A_182 = math.exp %logistic3A_181 : vector<1280x256xf32>
    %logistic3A_183 = arith.constant 1.000000e+00 : f32
    %logistic3A_184 = vector.broadcast %logistic3A_183 : f32 to vector<1280x256xf32>
    %logistic3A_185 = arith.addf %logistic3A_184, %logistic3A_182 : vector<1280x256xf32>
    %logistic3A_186 = arith.divf %logistic3A_184, %logistic3A_185 : vector<1280x256xf32>
    %slice3A_187 = vector.extract_strided_slice %add3A_177 {offsets = [0, 256], sizes = [1280, 256], strides = [1, 1]} : vector<1280x768xf32> to vector<1280x256xf32>
    %slice3A_188 = vector.extract_strided_slice %add3A_160 {offsets = [0, 256], sizes = [1280, 256], strides = [1, 1]} : vector<1280x768xf32> to vector<1280x256xf32>
    %add3A_189 = arith.addf %slice3A_187, %slice3A_188 : vector<1280x256xf32>
    %logistic3A_190 = arith.negf %add3A_189 : vector<1280x256xf32>
    %logistic3A_191 = math.exp %logistic3A_190 : vector<1280x256xf32>
    %logistic3A_192 = arith.constant 1.000000e+00 : f32
    %logistic3A_193 = vector.broadcast %logistic3A_192 : f32 to vector<1280x256xf32>
    %logistic3A_194 = arith.addf %logistic3A_193, %logistic3A_191 : vector<1280x256xf32>
    %logistic3A_195 = arith.divf %logistic3A_193, %logistic3A_194 : vector<1280x256xf32>
    %slice3A_196 = vector.extract_strided_slice %add3A_177 {offsets = [0, 512], sizes = [1280, 256], strides = [1, 1]} : vector<1280x768xf32> to vector<1280x256xf32>
    %slice3A_197 = vector.extract_strided_slice %add3A_160 {offsets = [0, 512], sizes = [1280, 256], strides = [1, 1]} : vector<1280x768xf32> to vector<1280x256xf32>
    %mul3A_198 = arith.mulf %logistic3A_186, %slice3A_197 : vector<1280x256xf32>
    %add3A_199 = arith.addf %slice3A_196, %mul3A_198 : vector<1280x256xf32>
    %tanh3A_200 = math.tanh %add3A_199 : vector<1280x256xf32>
    %sub3A_201 = arith.constant 1.000000e+00 : f32
    %sub3A_202 = vector.broadcast %sub3A_201 : f32 to vector<1280x256xf32>
    %sub3A_203 = arith.subf %sub3A_202, %logistic3A_195 : vector<1280x256xf32>
    %mul3A_204 = arith.mulf %sub3A_203, %tanh3A_200 : vector<1280x256xf32>
    %mul3A_205 = arith.mulf %logistic3A_195, %add3A_149 : vector<1280x256xf32>
    %add3A_206 = arith.addf %mul3A_204, %mul3A_205 : vector<1280x256xf32>
    %convert_element_type3A_207 = arith.truncf %add3A_206 : vector<1280x256xf32> to vector<1280x256xbf16>
    %dot_general3A_208 = arith.constant dense<0.000000e+00> : vector<1280x256xf32>
    %dot_general3A_209 = tpu.matmul %convert_element_type3A_207, %get3A_22, %dot_general3A_208 {dimension_numbers = #tpu.dot_dimension_numbers<[1], [0], [0], [1], [0, 0, 1, 1], [], []>, transpose_lhs_hint = false} : vector<1280x256xbf16>, vector<256x256xbf16>, vector<1280x256xf32> -> vector<1280x256xf32>
    %slice3A_210 = vector.extract_strided_slice %dot_general3A_209 {offsets = [0, 0], sizes = [1280, 128], strides = [1, 1]} : vector<1280x256xf32> to vector<1280x128xf32>
    %dot_general3A_211 = arith.constant dense<0.000000e+00> : vector<1280x128xf32>
    %dot_general3A_212 = tpu.matmul %reshape3A, %get3A_25, %dot_general3A_211 {dimension_numbers = #tpu.dot_dimension_numbers<[1], [0], [0], [1], [0, 0, 1, 1], [], []>, transpose_lhs_hint = false} : vector<1280x45xbf16>, vector<45x128xbf16>, vector<1280x128xf32> -> vector<1280x128xf32>
    %add3A_213 = arith.addf %slice3A_210, %dot_general3A_212 : vector<1280x128xf32>
    %add3A_214 = vector.broadcast %get3A_28 : vector<1x128xf32> to vector<1280x128xf32>
    %add3A_215 = arith.addf %add3A_213, %add3A_214 : vector<1280x128xf32>
    %logistic3A_216 = arith.negf %add3A_215 : vector<1280x128xf32>
    %logistic3A_217 = math.exp %logistic3A_216 : vector<1280x128xf32>
    %logistic3A_218 = arith.constant 1.000000e+00 : f32
    %logistic3A_219 = vector.broadcast %logistic3A_218 : f32 to vector<1280x128xf32>
    %logistic3A_220 = arith.addf %logistic3A_219, %logistic3A_217 : vector<1280x128xf32>
    %logistic3A_221 = arith.divf %logistic3A_219, %logistic3A_220 : vector<1280x128xf32>
    %slice3A_222 = vector.extract_strided_slice %dot_general3A_209 {offsets = [0, 128], sizes = [1280, 128], strides = [1, 1]} : vector<1280x256xf32> to vector<1280x128xf32>
    %add3A_223 = vector.broadcast %get3A_31 : vector<1x128xf32> to vector<1280x128xf32>
    %add3A_224 = arith.addf %slice3A_222, %add3A_223 : vector<1280x128xf32>
    %mul3A_225 = arith.mulf %logistic3A_221, %add3A_224 : vector<1280x128xf32>
    %reshape3A_226 = vector.shape_cast %mul3A_225 : vector<1280x128xf32> to vector<32x40x128xf32>
    %iota3A = tpu.iota {dimensions = array<i32: 0>} : vector<40x128xi32>
    %lt3A = arith.constant 38 : i32
    %lt3A_227 = vector.broadcast %lt3A : i32 to vector<40x128xi32>
    %lt3A_228 = arith.cmpi slt, %iota3A, %lt3A_227 : vector<40x128xi32>
    %convert_element_type3A_229 = arith.extui %lt3A_228 : vector<40x128xi1> to vector<40x128xi32>
    %convert_element_type3A_230 = arith.sitofp %convert_element_type3A_229 : vector<40x128xi32> to vector<40x128xf32>
    %broadcast_in_dim3A = vector.shape_cast %convert_element_type3A_230 : vector<40x128xf32> to vector<1x40x128xf32>
    %mul3A_231 = vector.broadcast %broadcast_in_dim3A : vector<1x40x128xf32> to vector<32x40x128xf32>
    %mul3A_232 = arith.mulf %reshape3A_226, %mul3A_231 : vector<32x40x128xf32>
    %reduce_sum3A = arith.constant dense<0.000000e+00> : vector<32x128xf32>
    %reduce_sum3A_233 = vector.multi_reduction <add>, %mul3A_232, %reduce_sum3A [1] : vector<32x40x128xf32> to vector<32x128xf32>
    %swap3A = arith.constant 0 : index
    %swap3A_234 = arith.constant 0 : index
    %swap3A_235 = vector.load %arg24[%swap3A, %swap3A_234] : memref<32x128xf32, #tpu.memory_space<vmem>>, vector<32x128xf32>
    tpu.vector_store %arg24[%swap3A, %swap3A_234], %reduce_sum3A_233 {strides = array<i32>} : memref<32x128xf32, #tpu.memory_space<vmem>>, vector<32x128xf32>,
    %get3A_236 = arith.constant 0 : index
    %get3A_237 = arith.constant 0 : index
    %get3A_238 = vector.load %arg14[%get3A_236, %get3A_237] : memref<256x512xbf16, #tpu.memory_space<vmem>>, vector<256x512xbf16>
    %convert_element_type3A_239 = arith.truncf %add3A_206 : vector<1280x256xf32> to vector<1280x256xbf16>
    %dot_general3A_240 = arith.constant dense<0.000000e+00> : vector<1280x512xf32>
    %dot_general3A_241 = tpu.matmul %convert_element_type3A_239, %get3A_238, %dot_general3A_240 {dimension_numbers = #tpu.dot_dimension_numbers<[1], [0], [0], [1], [0, 0, 1, 1], [], []>, transpose_lhs_hint = false} : vector<1280x256xbf16>, vector<256x512xbf16>, vector<1280x512xf32> -> vector<1280x512xf32>
    %get3A_242 = arith.constant 0 : index
    %get3A_243 = arith.constant 0 : index
    %get3A_244 = vector.load %arg15[%get3A_242, %get3A_243] : memref<1x512xf32, #tpu.memory_space<vmem>>, vector<1x512xf32>
    %add3A_245 = vector.broadcast %get3A_244 : vector<1x512xf32> to vector<1280x512xf32>
    %add3A_246 = arith.addf %dot_general3A_241, %add3A_245 : vector<1280x512xf32>
    %gt3A = arith.constant 0.000000e+00 : f32
    %gt3A_247 = vector.broadcast %gt3A : f32 to vector<1280x512xf32>
    %gt3A_248 = arith.cmpf ogt, %add3A_246, %gt3A_247 : vector<1280x512xf32>
    %exp3A = math.exp %add3A_246 : vector<1280x512xf32>
    %sub3A_249 = arith.constant 1.000000e+00 : f32
    %sub3A_250 = vector.broadcast %sub3A_249 : f32 to vector<1280x512xf32>
    %sub3A_251 = arith.subf %exp3A, %sub3A_250 : vector<1280x512xf32>
    %mul3A_252 = arith.constant 1.67326319 : f32
    %mul3A_253 = vector.broadcast %mul3A_252 : f32 to vector<1280x512xf32>
    %mul3A_254 = arith.mulf %mul3A_253, %sub3A_251 : vector<1280x512xf32>
    %select_n3A = arith.select %gt3A_248, %add3A_246, %mul3A_254 : vector<1280x512xi1>, vector<1280x512xf32>
    %mul3A_255 = arith.constant 1.05070102 : f32
    %mul3A_256 = vector.broadcast %mul3A_255 : f32 to vector<1280x512xf32>
    %mul3A_257 = arith.mulf %mul3A_256, %select_n3A : vector<1280x512xf32>
    %get3A_258 = arith.constant 0 : index
    %get3A_259 = arith.constant 0 : index
    %get3A_260 = vector.load %arg16[%get3A_258, %get3A_259] : memref<512x512xbf16, #tpu.memory_space<vmem>>, vector<512x512xbf16>
    %convert_element_type3A_261 = arith.truncf %mul3A_257 : vector<1280x512xf32> to vector<1280x512xbf16>
    %dot_general3A_262 = arith.constant dense<0.000000e+00> : vector<1280x512xf32>
    %dot_general3A_263 = tpu.matmul %convert_element_type3A_261, %get3A_260, %dot_general3A_262 {dimension_numbers = #tpu.dot_dimension_numbers<[1], [0], [0], [1], [0, 0, 1, 1], [], []>, transpose_lhs_hint = false} : vector<1280x512xbf16>, vector<512x512xbf16>, vector<1280x512xf32> -> vector<1280x512xf32>
    %get3A_264 = arith.constant 0 : index
    %get3A_265 = arith.constant 0 : index
    %get3A_266 = vector.load %arg17[%get3A_264, %get3A_265] : memref<1x512xf32, #tpu.memory_space<vmem>>, vector<1x512xf32>
    %add3A_267 = vector.broadcast %get3A_266 : vector<1x512xf32> to vector<1280x512xf32>
    %add3A_268 = arith.addf %dot_general3A_263, %add3A_267 : vector<1280x512xf32>
    %gt3A_269 = arith.constant 0.000000e+00 : f32
    %gt3A_270 = vector.broadcast %gt3A_269 : f32 to vector<1280x512xf32>
    %gt3A_271 = arith.cmpf ogt, %add3A_268, %gt3A_270 : vector<1280x512xf32>
    %exp3A_272 = math.exp %add3A_268 : vector<1280x512xf32>
    %sub3A_273 = arith.constant 1.000000e+00 : f32
    %sub3A_274 = vector.broadcast %sub3A_273 : f32 to vector<1280x512xf32>
    %sub3A_275 = arith.subf %exp3A_272, %sub3A_274 : vector<1280x512xf32>
    %mul3A_276 = arith.constant 1.67326319 : f32
    %mul3A_277 = vector.broadcast %mul3A_276 : f32 to vector<1280x512xf32>
    %mul3A_278 = arith.mulf %mul3A_277, %sub3A_275 : vector<1280x512xf32>
    %select_n3A_279 = arith.select %gt3A_271, %add3A_268, %mul3A_278 : vector<1280x512xi1>, vector<1280x512xf32>
    %mul3A_280 = arith.constant 1.05070102 : f32
    %mul3A_281 = vector.broadcast %mul3A_280 : f32 to vector<1280x512xf32>
    %mul3A_282 = arith.mulf %mul3A_281, %select_n3A_279 : vector<1280x512xf32>
    %get3A_283 = arith.constant 0 : index
    %get3A_284 = arith.constant 0 : index
    %get3A_285 = vector.load %arg18[%get3A_283, %get3A_284] : memref<512x512xbf16, #tpu.memory_space<vmem>>, vector<512x512xbf16>
    %convert_element_type3A_286 = arith.truncf %mul3A_282 : vector<1280x512xf32> to vector<1280x512xbf16>
    %dot_general3A_287 = arith.constant dense<0.000000e+00> : vector<1280x512xf32>
    %dot_general3A_288 = tpu.matmul %convert_element_type3A_286, %get3A_285, %dot_general3A_287 {dimension_numbers = #tpu.dot_dimension_numbers<[1], [0], [0], [1], [0, 0, 1, 1], [], []>, transpose_lhs_hint = false} : vector<1280x512xbf16>, vector<512x512xbf16>, vector<1280x512xf32> -> vector<1280x512xf32>
    %get3A_289 = arith.constant 0 : index
    %get3A_290 = arith.constant 0 : index
    %get3A_291 = vector.load %arg19[%get3A_289, %get3A_290] : memref<1x512xf32, #tpu.memory_space<vmem>>, vector<1x512xf32>
    %add3A_292 = vector.broadcast %get3A_291 : vector<1x512xf32> to vector<1280x512xf32>
    %add3A_293 = arith.addf %dot_general3A_288, %add3A_292 : vector<1280x512xf32>
    %gt3A_294 = arith.constant 0.000000e+00 : f32
    %gt3A_295 = vector.broadcast %gt3A_294 : f32 to vector<1280x512xf32>
    %gt3A_296 = arith.cmpf ogt, %add3A_293, %gt3A_295 : vector<1280x512xf32>
    %exp3A_297 = math.exp %add3A_293 : vector<1280x512xf32>
    %sub3A_298 = arith.constant 1.000000e+00 : f32
    %sub3A_299 = vector.broadcast %sub3A_298 : f32 to vector<1280x512xf32>
    %sub3A_300 = arith.subf %exp3A_297, %sub3A_299 : vector<1280x512xf32>
    %mul3A_301 = arith.constant 1.67326319 : f32
    %mul3A_302 = vector.broadcast %mul3A_301 : f32 to vector<1280x512xf32>
    %mul3A_303 = arith.mulf %mul3A_302, %sub3A_300 : vector<1280x512xf32>
    %select_n3A_304 = arith.select %gt3A_296, %add3A_293, %mul3A_303 : vector<1280x512xi1>, vector<1280x512xf32>
    %mul3A_305 = arith.constant 1.05070102 : f32
    %mul3A_306 = vector.broadcast %mul3A_305 : f32 to vector<1280x512xf32>
    %mul3A_307 = arith.mulf %mul3A_306, %select_n3A_304 : vector<1280x512xf32>
    %get3A_308 = arith.constant 0 : index
    %get3A_309 = arith.constant 0 : index
    %get3A_310 = vector.load %arg20[%get3A_308, %get3A_309] : memref<512x512xbf16, #tpu.memory_space<vmem>>, vector<512x512xbf16>
    %convert_element_type3A_311 = arith.truncf %mul3A_307 : vector<1280x512xf32> to vector<1280x512xbf16>
    %dot_general3A_312 = arith.constant dense<0.000000e+00> : vector<1280x512xf32>
    %dot_general3A_313 = tpu.matmul %convert_element_type3A_311, %get3A_310, %dot_general3A_312 {dimension_numbers = #tpu.dot_dimension_numbers<[1], [0], [0], [1], [0, 0, 1, 1], [], []>, transpose_lhs_hint = false} : vector<1280x512xbf16>, vector<512x512xbf16>, vector<1280x512xf32> -> vector<1280x512xf32>
    %get3A_314 = arith.constant 0 : index
    %get3A_315 = arith.constant 0 : index
    %get3A_316 = vector.load %arg21[%get3A_314, %get3A_315] : memref<1x512xf32, #tpu.memory_space<vmem>>, vector<1x512xf32>
    %add3A_317 = vector.broadcast %get3A_316 : vector<1x512xf32> to vector<1280x512xf32>
    %add3A_318 = arith.addf %dot_general3A_313, %add3A_317 : vector<1280x512xf32>
    %gt3A_319 = arith.constant 0.000000e+00 : f32
    %gt3A_320 = vector.broadcast %gt3A_319 : f32 to vector<1280x512xf32>
    %gt3A_321 = arith.cmpf ogt, %add3A_318, %gt3A_320 : vector<1280x512xf32>
    %exp3A_322 = math.exp %add3A_318 : vector<1280x512xf32>
    %sub3A_323 = arith.constant 1.000000e+00 : f32
    %sub3A_324 = vector.broadcast %sub3A_323 : f32 to vector<1280x512xf32>
    %sub3A_325 = arith.subf %exp3A_322, %sub3A_324 : vector<1280x512xf32>
    %mul3A_326 = arith.constant 1.67326319 : f32
    %mul3A_327 = vector.broadcast %mul3A_326 : f32 to vector<1280x512xf32>
    %mul3A_328 = arith.mulf %mul3A_327, %sub3A_325 : vector<1280x512xf32>
    %select_n3A_329 = arith.select %gt3A_321, %add3A_318, %mul3A_328 : vector<1280x512xi1>, vector<1280x512xf32>
    %mul3A_330 = arith.constant 1.05070102 : f32
    %mul3A_331 = vector.broadcast %mul3A_330 : f32 to vector<1280x512xf32>
    %mul3A_332 = arith.mulf %mul3A_331, %select_n3A_329 : vector<1280x512xf32>
    %get3A_333 = arith.constant 0 : index
    %get3A_334 = arith.constant 0 : index
    %get3A_335 = vector.load %arg22[%get3A_333, %get3A_334] : memref<512x64xbf16, #tpu.memory_space<vmem>>, vector<512x64xbf16>
    %convert_element_type3A_336 = arith.truncf %mul3A_332 : vector<1280x512xf32> to vector<1280x512xbf16>
    %dot_general3A_337 = arith.constant dense<0.000000e+00> : vector<1280x64xf32>
    %dot_general3A_338 = tpu.matmul %convert_element_type3A_336, %get3A_335, %dot_general3A_337 {dimension_numbers = #tpu.dot_dimension_numbers<[1], [0], [0], [1], [0, 0, 1, 1], [], []>, transpose_lhs_hint = false} : vector<1280x512xbf16>, vector<512x64xbf16>, vector<1280x64xf32> -> vector<1280x64xf32>
    %get3A_339 = arith.constant 0 : index
    %get3A_340 = arith.constant 0 : index
    %get3A_341 = vector.load %arg23[%get3A_339, %get3A_340] : memref<1x64xf32, #tpu.memory_space<vmem>>, vector<1x64xf32>
    %add3A_342 = vector.broadcast %get3A_341 : vector<1x64xf32> to vector<1280x64xf32>
    %add3A_343 = arith.addf %dot_general3A_338, %add3A_342 : vector<1280x64xf32>
    %reshape3A_344 = vector.shape_cast %add3A_343 : vector<1280x64xf32> to vector<32x40x64xf32>
    %slice3A_345 = vector.extract_strided_slice %reshape3A_344 {offsets = [0, 0, 0], sizes = [32, 38, 64], strides = [1, 1, 1]} : vector<32x40x64xf32> to vector<32x38x64xf32>
    %swap3A_346 = arith.constant 0 : index
    %swap3A_347 = arith.constant 0 : index
    %swap3A_348 = arith.constant 0 : index
    %swap3A_349 = vector.load %arg25[%swap3A_346, %swap3A_347, %swap3A_348] : memref<32x38x64xf32, #tpu.memory_space<vmem>>, vector<32x38x64xf32>
    tpu.vector_store %arg25[%swap3A_346, %swap3A_347, %swap3A_348], %slice3A_345 {strides = array<i32>} : memref<32x38x64xf32, #tpu.memory_space<vmem>>, vector<32x38x64xf32>,
    return
  }
  func.func @transform_0(%arg0: i32) -> (i32, i32, i32) {
    %c0_i32 = arith.constant 0 : i32
    %c0_i32_0 = arith.constant 0 : i32
    %c0_i32_1 = arith.constant 0 : i32
    return %arg0, %c0_i32, %c0_i32_0 : i32, i32, i32
  }
  func.func @transform_1(%arg0: i32) -> (i32, i32, i32) {
    %c0_i32 = arith.constant 0 : i32
    %c0_i32_0 = arith.constant 0 : i32
    %c0_i32_1 = arith.constant 0 : i32
    return %arg0, %c0_i32, %c0_i32_0 : i32, i32, i32
  }
  func.func @transform_2(%arg0: i32) -> (i32, i32) {
    %c0_i32 = arith.constant 0 : i32
    %c0_i32_0 = arith.constant 0 : i32
    %c0_i32_1 = arith.constant 0 : i32
    return %c0_i32, %c0_i32_0 : i32, i32
  }
  func.func @transform_3(%arg0: i32) -> (i32, i32) {
    %c0_i32 = arith.constant 0 : i32
    %c0_i32_0 = arith.constant 0 : i32
    %c0_i32_1 = arith.constant 0 : i32
    return %c0_i32, %c0_i32_0 : i32, i32
  }
  func.func @transform_4(%arg0: i32) -> (i32, i32) {
    %c0_i32 = arith.constant 0 : i32
    %c0_i32_0 = arith.constant 0 : i32
    %c0_i32_1 = arith.constant 0 : i32
    return %c0_i32, %c0_i32_0 : i32, i32
  }
  func.func @transform_5(%arg0: i32) -> (i32, i32) {
    %c0_i32 = arith.constant 0 : i32
    %c0_i32_0 = arith.constant 0 : i32
    %c0_i32_1 = arith.constant 0 : i32
    return %c0_i32, %c0_i32_0 : i32, i32
  }
  func.func @transform_6(%arg0: i32) -> (i32, i32) {
    %c0_i32 = arith.constant 0 : i32
    %c0_i32_0 = arith.constant 0 : i32
    %c0_i32_1 = arith.constant 0 : i32
    return %c0_i32, %c0_i32_0 : i32, i32
  }
  func.func @transform_7(%arg0: i32) -> (i32, i32) {
    %c0_i32 = arith.constant 0 : i32
    %c0_i32_0 = arith.constant 0 : i32
    %c0_i32_1 = arith.constant 0 : i32
    return %c0_i32, %c0_i32_0 : i32, i32
  }
  func.func @transform_8(%arg0: i32) -> (i32, i32) {
    %c0_i32 = arith.constant 0 : i32
    %c0_i32_0 = arith.constant 0 : i32
    %c0_i32_1 = arith.constant 0 : i32
    return %c0_i32, %c0_i32_0 : i32, i32
  }
  func.func @transform_9(%arg0: i32) -> (i32, i32) {
    %c0_i32 = arith.constant 0 : i32
    %c0_i32_0 = arith.constant 0 : i32
    %c0_i32_1 = arith.constant 0 : i32
    return %c0_i32, %c0_i32_0 : i32, i32
  }
  func.func @transform_10(%arg0: i32) -> (i32, i32) {
    %c0_i32 = arith.constant 0 : i32
    %c0_i32_0 = arith.constant 0 : i32
    %c0_i32_1 = arith.constant 0 : i32
    return %c0_i32, %c0_i32_0 : i32, i32
  }
  func.func @transform_11(%arg0: i32) -> (i32, i32) {
    %c0_i32 = arith.constant 0 : i32
    %c0_i32_0 = arith.constant 0 : i32
    %c0_i32_1 = arith.constant 0 : i32
    return %c0_i32, %c0_i32_0 : i32, i32
  }
  func.func @transform_12(%arg0: i32) -> (i32, i32) {
    %c0_i32 = arith.constant 0 : i32
    %c0_i32_0 = arith.constant 0 : i32
    %c0_i32_1 = arith.constant 0 : i32
    return %c0_i32, %c0_i32_0 : i32, i32
  }
  func.func @transform_13(%arg0: i32) -> (i32, i32) {
    %c0_i32 = arith.constant 0 : i32
    %c0_i32_0 = arith.constant 0 : i32
    %c0_i32_1 = arith.constant 0 : i32
    return %c0_i32, %c0_i32_0 : i32, i32
  }
  func.func @transform_14(%arg0: i32) -> (i32, i32) {
    %c0_i32 = arith.constant 0 : i32
    %c0_i32_0 = arith.constant 0 : i32
    %c0_i32_1 = arith.constant 0 : i32
    return %c0_i32, %c0_i32_0 : i32, i32
  }
  func.func @transform_15(%arg0: i32) -> (i32, i32) {
    %c0_i32 = arith.constant 0 : i32
    %c0_i32_0 = arith.constant 0 : i32
    %c0_i32_1 = arith.constant 0 : i32
    return %c0_i32, %c0_i32_0 : i32, i32
  }
  func.func @transform_16(%arg0: i32) -> (i32, i32) {
    %c0_i32 = arith.constant 0 : i32
    %c0_i32_0 = arith.constant 0 : i32
    %c0_i32_1 = arith.constant 0 : i32
    return %c0_i32, %c0_i32_0 : i32, i32
  }
  func.func @transform_17(%arg0: i32) -> (i32, i32) {
    %c0_i32 = arith.constant 0 : i32
    %c0_i32_0 = arith.constant 0 : i32
    %c0_i32_1 = arith.constant 0 : i32
    return %c0_i32, %c0_i32_0 : i32, i32
  }
  func.func @transform_18(%arg0: i32) -> (i32, i32) {
    %c0_i32 = arith.constant 0 : i32
    %c0_i32_0 = arith.constant 0 : i32
    %c0_i32_1 = arith.constant 0 : i32
    return %c0_i32, %c0_i32_0 : i32, i32
  }
  func.func @transform_19(%arg0: i32) -> (i32, i32) {
    %c0_i32 = arith.constant 0 : i32
    %c0_i32_0 = arith.constant 0 : i32
    %c0_i32_1 = arith.constant 0 : i32
    return %c0_i32, %c0_i32_0 : i32, i32
  }
  func.func @transform_20(%arg0: i32) -> (i32, i32) {
    %c0_i32 = arith.constant 0 : i32
    %c0_i32_0 = arith.constant 0 : i32
    %c0_i32_1 = arith.constant 0 : i32
    return %c0_i32, %c0_i32_0 : i32, i32
  }
  func.func @transform_21(%arg0: i32) -> (i32, i32) {
    %c0_i32 = arith.constant 0 : i32
    %c0_i32_0 = arith.constant 0 : i32
    %c0_i32_1 = arith.constant 0 : i32
    return %c0_i32, %c0_i32_0 : i32, i32
  }
  func.func @transform_22(%arg0: i32) -> (i32, i32) {
    %c0_i32 = arith.constant 0 : i32
    %c0_i32_0 = arith.constant 0 : i32
    %c0_i32_1 = arith.constant 0 : i32
    return %c0_i32, %c0_i32_0 : i32, i32
  }
  func.func @transform_23(%arg0: i32) -> (i32, i32) {
    %c0_i32 = arith.constant 0 : i32
    %c0_i32_0 = arith.constant 0 : i32
    return %arg0, %c0_i32 : i32, i32
  }
  func.func @transform_24(%arg0: i32) -> (i32, i32, i32) {
    %c0_i32 = arith.constant 0 : i32
    %c0_i32_0 = arith.constant 0 : i32
    %c0_i32_1 = arith.constant 0 : i32
    return %arg0, %c0_i32, %c0_i32_0 : i32, i32, i32
  }
}

module attributes {stable_mosaic.version = 14 : i64} {
  func.func @_mlp2_body(%arg0: i32, %arg1: memref<256x2432xf32, #tpu.memory_space<vmem>>, %arg2: memref<256x128xf32, #tpu.memory_space<vmem>>, %arg3: memref<256x128xf32, #tpu.memory_space<vmem>>, %arg4: memref<256x256xf32, #tpu.memory_space<vmem>>, %arg5: memref<2432x512xbf16, #tpu.memory_space<vmem>>, %arg6: memref<128x512xbf16, #tpu.memory_space<vmem>>, %arg7: memref<128x512xbf16, #tpu.memory_space<vmem>>, %arg8: memref<256x512xbf16, #tpu.memory_space<vmem>>, %arg9: memref<1x512xf32, #tpu.memory_space<vmem>>, %arg10: memref<512x512xbf16, #tpu.memory_space<vmem>>, %arg11: memref<1x512xf32, #tpu.memory_space<vmem>>, %arg12: memref<512x512xbf16, #tpu.memory_space<vmem>>, %arg13: memref<1x512xf32, #tpu.memory_space<vmem>>, %arg14: memref<512x512xbf16, #tpu.memory_space<vmem>>, %arg15: memref<1x512xf32, #tpu.memory_space<vmem>>, %arg16: memref<512x152xbf16, #tpu.memory_space<vmem>>, %arg17: memref<1x152xf32, #tpu.memory_space<vmem>>, %arg18: memref<256x152xf32, #tpu.memory_space<vmem>>) attributes {dimension_semantics = [#tpu.dimension_semantics<parallel>], iteration_bounds = array<i64: 4>, scalar_prefetch = 0 : i64, scratch_operands = 0 : i64, tpu.core_type = #tpu.core_type<tc>, window_params = [{transform_indices = @transform_0, window_bounds = array<i64: 256, 2432>}, {transform_indices = @transform_1, window_bounds = array<i64: 256, 128>}, {transform_indices = @transform_2, window_bounds = array<i64: 256, 128>}, {transform_indices = @transform_3, window_bounds = array<i64: 256, 256>}, {pipeline_mode = #tpu.pipeline_mode<synchronous>, transform_indices = @transform_4, window_bounds = array<i64: 2432, 512>}, {pipeline_mode = #tpu.pipeline_mode<synchronous>, transform_indices = @transform_5, window_bounds = array<i64: 128, 512>}, {pipeline_mode = #tpu.pipeline_mode<synchronous>, transform_indices = @transform_6, window_bounds = array<i64: 128, 512>}, {pipeline_mode = #tpu.pipeline_mode<synchronous>, transform_indices = @transform_7, window_bounds = array<i64: 256, 512>}, {pipeline_mode = #tpu.pipeline_mode<synchronous>, transform_indices = @transform_8, window_bounds = array<i64: 1, 512>}, {pipeline_mode = #tpu.pipeline_mode<synchronous>, transform_indices = @transform_9, window_bounds = array<i64: 512, 512>}, {pipeline_mode = #tpu.pipeline_mode<synchronous>, transform_indices = @transform_10, window_bounds = array<i64: 1, 512>}, {pipeline_mode = #tpu.pipeline_mode<synchronous>, transform_indices = @transform_11, window_bounds = array<i64: 512, 512>}, {pipeline_mode = #tpu.pipeline_mode<synchronous>, transform_indices = @transform_12, window_bounds = array<i64: 1, 512>}, {pipeline_mode = #tpu.pipeline_mode<synchronous>, transform_indices = @transform_13, window_bounds = array<i64: 512, 512>}, {pipeline_mode = #tpu.pipeline_mode<synchronous>, transform_indices = @transform_14, window_bounds = array<i64: 1, 512>}, {pipeline_mode = #tpu.pipeline_mode<synchronous>, transform_indices = @transform_15, window_bounds = array<i64: 512, 152>}, {pipeline_mode = #tpu.pipeline_mode<synchronous>, transform_indices = @transform_16, window_bounds = array<i64: 1, 152>}, {transform_indices = @transform_17, window_bounds = array<i64: 256, 152>}]} {
    %get3A = arith.constant 0 : index
    %get3A_0 = arith.constant 0 : index
    %get3A_1 = vector.load %arg1[%get3A, %get3A_0] : memref<256x2432xf32, #tpu.memory_space<vmem>>, vector<256x2432xf32>
    %get3A_2 = arith.constant 0 : index
    %get3A_3 = arith.constant 0 : index
    %get3A_4 = vector.load %arg5[%get3A_2, %get3A_3] : memref<2432x512xbf16, #tpu.memory_space<vmem>>, vector<2432x512xbf16>
    %convert_element_type3A = arith.truncf %get3A_1 : vector<256x2432xf32> to vector<256x2432xbf16>
    %dot_general3A = arith.constant dense<0.000000e+00> : vector<256x512xf32>
    %dot_general3A_5 = tpu.matmul %convert_element_type3A, %get3A_4, %dot_general3A {dimension_numbers = #tpu.dot_dimension_numbers<[1], [0], [0], [1], [0, 0, 1, 1], [], []>, transpose_lhs_hint = false} : vector<256x2432xbf16>, vector<2432x512xbf16>, vector<256x512xf32> -> vector<256x512xf32>
    %get3A_6 = arith.constant 0 : index
    %get3A_7 = arith.constant 0 : index
    %get3A_8 = vector.load %arg2[%get3A_6, %get3A_7] : memref<256x128xf32, #tpu.memory_space<vmem>>, vector<256x128xf32>
    %get3A_9 = arith.constant 0 : index
    %get3A_10 = arith.constant 0 : index
    %get3A_11 = vector.load %arg6[%get3A_9, %get3A_10] : memref<128x512xbf16, #tpu.memory_space<vmem>>, vector<128x512xbf16>
    %convert_element_type3A_12 = arith.truncf %get3A_8 : vector<256x128xf32> to vector<256x128xbf16>
    %dot_general3A_13 = arith.constant dense<0.000000e+00> : vector<256x512xf32>
    %dot_general3A_14 = tpu.matmul %convert_element_type3A_12, %get3A_11, %dot_general3A_13 {dimension_numbers = #tpu.dot_dimension_numbers<[1], [0], [0], [1], [0, 0, 1, 1], [], []>, transpose_lhs_hint = false} : vector<256x128xbf16>, vector<128x512xbf16>, vector<256x512xf32> -> vector<256x512xf32>
    %add3A = arith.addf %dot_general3A_5, %dot_general3A_14 : vector<256x512xf32>
    %get3A_15 = arith.constant 0 : index
    %get3A_16 = arith.constant 0 : index
    %get3A_17 = vector.load %arg3[%get3A_15, %get3A_16] : memref<256x128xf32, #tpu.memory_space<vmem>>, vector<256x128xf32>
    %get3A_18 = arith.constant 0 : index
    %get3A_19 = arith.constant 0 : index
    %get3A_20 = vector.load %arg7[%get3A_18, %get3A_19] : memref<128x512xbf16, #tpu.memory_space<vmem>>, vector<128x512xbf16>
    %convert_element_type3A_21 = arith.truncf %get3A_17 : vector<256x128xf32> to vector<256x128xbf16>
    %dot_general3A_22 = arith.constant dense<0.000000e+00> : vector<256x512xf32>
    %dot_general3A_23 = tpu.matmul %convert_element_type3A_21, %get3A_20, %dot_general3A_22 {dimension_numbers = #tpu.dot_dimension_numbers<[1], [0], [0], [1], [0, 0, 1, 1], [], []>, transpose_lhs_hint = false} : vector<256x128xbf16>, vector<128x512xbf16>, vector<256x512xf32> -> vector<256x512xf32>
    %add3A_24 = arith.addf %add3A, %dot_general3A_23 : vector<256x512xf32>
    %get3A_25 = arith.constant 0 : index
    %get3A_26 = arith.constant 0 : index
    %get3A_27 = vector.load %arg4[%get3A_25, %get3A_26] : memref<256x256xf32, #tpu.memory_space<vmem>>, vector<256x256xf32>
    %get3A_28 = arith.constant 0 : index
    %get3A_29 = arith.constant 0 : index
    %get3A_30 = vector.load %arg8[%get3A_28, %get3A_29] : memref<256x512xbf16, #tpu.memory_space<vmem>>, vector<256x512xbf16>
    %convert_element_type3A_31 = arith.truncf %get3A_27 : vector<256x256xf32> to vector<256x256xbf16>
    %dot_general3A_32 = arith.constant dense<0.000000e+00> : vector<256x512xf32>
    %dot_general3A_33 = tpu.matmul %convert_element_type3A_31, %get3A_30, %dot_general3A_32 {dimension_numbers = #tpu.dot_dimension_numbers<[1], [0], [0], [1], [0, 0, 1, 1], [], []>, transpose_lhs_hint = false} : vector<256x256xbf16>, vector<256x512xbf16>, vector<256x512xf32> -> vector<256x512xf32>
    %add3A_34 = arith.addf %add3A_24, %dot_general3A_33 : vector<256x512xf32>
    %get3A_35 = arith.constant 0 : index
    %get3A_36 = arith.constant 0 : index
    %get3A_37 = vector.load %arg9[%get3A_35, %get3A_36] : memref<1x512xf32, #tpu.memory_space<vmem>>, vector<1x512xf32>
    %add3A_38 = vector.broadcast %get3A_37 : vector<1x512xf32> to vector<256x512xf32>
    %add3A_39 = arith.addf %add3A_34, %add3A_38 : vector<256x512xf32>
    %gt3A = arith.constant 0.000000e+00 : f32
    %gt3A_40 = vector.broadcast %gt3A : f32 to vector<256x512xf32>
    %gt3A_41 = arith.cmpf ogt, %add3A_39, %gt3A_40 : vector<256x512xf32>
    %exp3A = math.exp %add3A_39 : vector<256x512xf32>
    %sub3A = arith.constant 1.000000e+00 : f32
    %sub3A_42 = vector.broadcast %sub3A : f32 to vector<256x512xf32>
    %sub3A_43 = arith.subf %exp3A, %sub3A_42 : vector<256x512xf32>
    %mul3A = arith.constant 1.67326319 : f32
    %mul3A_44 = vector.broadcast %mul3A : f32 to vector<256x512xf32>
    %mul3A_45 = arith.mulf %mul3A_44, %sub3A_43 : vector<256x512xf32>
    %select_n3A = arith.select %gt3A_41, %add3A_39, %mul3A_45 : vector<256x512xi1>, vector<256x512xf32>
    %mul3A_46 = arith.constant 1.05070102 : f32
    %mul3A_47 = vector.broadcast %mul3A_46 : f32 to vector<256x512xf32>
    %mul3A_48 = arith.mulf %mul3A_47, %select_n3A : vector<256x512xf32>
    %get3A_49 = arith.constant 0 : index
    %get3A_50 = arith.constant 0 : index
    %get3A_51 = vector.load %arg10[%get3A_49, %get3A_50] : memref<512x512xbf16, #tpu.memory_space<vmem>>, vector<512x512xbf16>
    %convert_element_type3A_52 = arith.truncf %mul3A_48 : vector<256x512xf32> to vector<256x512xbf16>
    %dot_general3A_53 = arith.constant dense<0.000000e+00> : vector<256x512xf32>
    %dot_general3A_54 = tpu.matmul %convert_element_type3A_52, %get3A_51, %dot_general3A_53 {dimension_numbers = #tpu.dot_dimension_numbers<[1], [0], [0], [1], [0, 0, 1, 1], [], []>, transpose_lhs_hint = false} : vector<256x512xbf16>, vector<512x512xbf16>, vector<256x512xf32> -> vector<256x512xf32>
    %get3A_55 = arith.constant 0 : index
    %get3A_56 = arith.constant 0 : index
    %get3A_57 = vector.load %arg11[%get3A_55, %get3A_56] : memref<1x512xf32, #tpu.memory_space<vmem>>, vector<1x512xf32>
    %add3A_58 = vector.broadcast %get3A_57 : vector<1x512xf32> to vector<256x512xf32>
    %add3A_59 = arith.addf %dot_general3A_54, %add3A_58 : vector<256x512xf32>
    %gt3A_60 = arith.constant 0.000000e+00 : f32
    %gt3A_61 = vector.broadcast %gt3A_60 : f32 to vector<256x512xf32>
    %gt3A_62 = arith.cmpf ogt, %add3A_59, %gt3A_61 : vector<256x512xf32>
    %exp3A_63 = math.exp %add3A_59 : vector<256x512xf32>
    %sub3A_64 = arith.constant 1.000000e+00 : f32
    %sub3A_65 = vector.broadcast %sub3A_64 : f32 to vector<256x512xf32>
    %sub3A_66 = arith.subf %exp3A_63, %sub3A_65 : vector<256x512xf32>
    %mul3A_67 = arith.constant 1.67326319 : f32
    %mul3A_68 = vector.broadcast %mul3A_67 : f32 to vector<256x512xf32>
    %mul3A_69 = arith.mulf %mul3A_68, %sub3A_66 : vector<256x512xf32>
    %select_n3A_70 = arith.select %gt3A_62, %add3A_59, %mul3A_69 : vector<256x512xi1>, vector<256x512xf32>
    %mul3A_71 = arith.constant 1.05070102 : f32
    %mul3A_72 = vector.broadcast %mul3A_71 : f32 to vector<256x512xf32>
    %mul3A_73 = arith.mulf %mul3A_72, %select_n3A_70 : vector<256x512xf32>
    %get3A_74 = arith.constant 0 : index
    %get3A_75 = arith.constant 0 : index
    %get3A_76 = vector.load %arg12[%get3A_74, %get3A_75] : memref<512x512xbf16, #tpu.memory_space<vmem>>, vector<512x512xbf16>
    %convert_element_type3A_77 = arith.truncf %mul3A_73 : vector<256x512xf32> to vector<256x512xbf16>
    %dot_general3A_78 = arith.constant dense<0.000000e+00> : vector<256x512xf32>
    %dot_general3A_79 = tpu.matmul %convert_element_type3A_77, %get3A_76, %dot_general3A_78 {dimension_numbers = #tpu.dot_dimension_numbers<[1], [0], [0], [1], [0, 0, 1, 1], [], []>, transpose_lhs_hint = false} : vector<256x512xbf16>, vector<512x512xbf16>, vector<256x512xf32> -> vector<256x512xf32>
    %get3A_80 = arith.constant 0 : index
    %get3A_81 = arith.constant 0 : index
    %get3A_82 = vector.load %arg13[%get3A_80, %get3A_81] : memref<1x512xf32, #tpu.memory_space<vmem>>, vector<1x512xf32>
    %add3A_83 = vector.broadcast %get3A_82 : vector<1x512xf32> to vector<256x512xf32>
    %add3A_84 = arith.addf %dot_general3A_79, %add3A_83 : vector<256x512xf32>
    %gt3A_85 = arith.constant 0.000000e+00 : f32
    %gt3A_86 = vector.broadcast %gt3A_85 : f32 to vector<256x512xf32>
    %gt3A_87 = arith.cmpf ogt, %add3A_84, %gt3A_86 : vector<256x512xf32>
    %exp3A_88 = math.exp %add3A_84 : vector<256x512xf32>
    %sub3A_89 = arith.constant 1.000000e+00 : f32
    %sub3A_90 = vector.broadcast %sub3A_89 : f32 to vector<256x512xf32>
    %sub3A_91 = arith.subf %exp3A_88, %sub3A_90 : vector<256x512xf32>
    %mul3A_92 = arith.constant 1.67326319 : f32
    %mul3A_93 = vector.broadcast %mul3A_92 : f32 to vector<256x512xf32>
    %mul3A_94 = arith.mulf %mul3A_93, %sub3A_91 : vector<256x512xf32>
    %select_n3A_95 = arith.select %gt3A_87, %add3A_84, %mul3A_94 : vector<256x512xi1>, vector<256x512xf32>
    %mul3A_96 = arith.constant 1.05070102 : f32
    %mul3A_97 = vector.broadcast %mul3A_96 : f32 to vector<256x512xf32>
    %mul3A_98 = arith.mulf %mul3A_97, %select_n3A_95 : vector<256x512xf32>
    %get3A_99 = arith.constant 0 : index
    %get3A_100 = arith.constant 0 : index
    %get3A_101 = vector.load %arg14[%get3A_99, %get3A_100] : memref<512x512xbf16, #tpu.memory_space<vmem>>, vector<512x512xbf16>
    %convert_element_type3A_102 = arith.truncf %mul3A_98 : vector<256x512xf32> to vector<256x512xbf16>
    %dot_general3A_103 = arith.constant dense<0.000000e+00> : vector<256x512xf32>
    %dot_general3A_104 = tpu.matmul %convert_element_type3A_102, %get3A_101, %dot_general3A_103 {dimension_numbers = #tpu.dot_dimension_numbers<[1], [0], [0], [1], [0, 0, 1, 1], [], []>, transpose_lhs_hint = false} : vector<256x512xbf16>, vector<512x512xbf16>, vector<256x512xf32> -> vector<256x512xf32>
    %get3A_105 = arith.constant 0 : index
    %get3A_106 = arith.constant 0 : index
    %get3A_107 = vector.load %arg15[%get3A_105, %get3A_106] : memref<1x512xf32, #tpu.memory_space<vmem>>, vector<1x512xf32>
    %add3A_108 = vector.broadcast %get3A_107 : vector<1x512xf32> to vector<256x512xf32>
    %add3A_109 = arith.addf %dot_general3A_104, %add3A_108 : vector<256x512xf32>
    %gt3A_110 = arith.constant 0.000000e+00 : f32
    %gt3A_111 = vector.broadcast %gt3A_110 : f32 to vector<256x512xf32>
    %gt3A_112 = arith.cmpf ogt, %add3A_109, %gt3A_111 : vector<256x512xf32>
    %exp3A_113 = math.exp %add3A_109 : vector<256x512xf32>
    %sub3A_114 = arith.constant 1.000000e+00 : f32
    %sub3A_115 = vector.broadcast %sub3A_114 : f32 to vector<256x512xf32>
    %sub3A_116 = arith.subf %exp3A_113, %sub3A_115 : vector<256x512xf32>
    %mul3A_117 = arith.constant 1.67326319 : f32
    %mul3A_118 = vector.broadcast %mul3A_117 : f32 to vector<256x512xf32>
    %mul3A_119 = arith.mulf %mul3A_118, %sub3A_116 : vector<256x512xf32>
    %select_n3A_120 = arith.select %gt3A_112, %add3A_109, %mul3A_119 : vector<256x512xi1>, vector<256x512xf32>
    %mul3A_121 = arith.constant 1.05070102 : f32
    %mul3A_122 = vector.broadcast %mul3A_121 : f32 to vector<256x512xf32>
    %mul3A_123 = arith.mulf %mul3A_122, %select_n3A_120 : vector<256x512xf32>
    %get3A_124 = arith.constant 0 : index
    %get3A_125 = arith.constant 0 : index
    %get3A_126 = vector.load %arg16[%get3A_124, %get3A_125] : memref<512x152xbf16, #tpu.memory_space<vmem>>, vector<512x152xbf16>
    %convert_element_type3A_127 = arith.truncf %mul3A_123 : vector<256x512xf32> to vector<256x512xbf16>
    %dot_general3A_128 = arith.constant dense<0.000000e+00> : vector<256x152xf32>
    %dot_general3A_129 = tpu.matmul %convert_element_type3A_127, %get3A_126, %dot_general3A_128 {dimension_numbers = #tpu.dot_dimension_numbers<[1], [0], [0], [1], [0, 0, 1, 1], [], []>, transpose_lhs_hint = false} : vector<256x512xbf16>, vector<512x152xbf16>, vector<256x152xf32> -> vector<256x152xf32>
    %get3A_130 = arith.constant 0 : index
    %get3A_131 = arith.constant 0 : index
    %get3A_132 = vector.load %arg17[%get3A_130, %get3A_131] : memref<1x152xf32, #tpu.memory_space<vmem>>, vector<1x152xf32>
    %add3A_133 = vector.broadcast %get3A_132 : vector<1x152xf32> to vector<256x152xf32>
    %add3A_134 = arith.addf %dot_general3A_129, %add3A_133 : vector<256x152xf32>
    %swap3A = arith.constant 0 : index
    %swap3A_135 = arith.constant 0 : index
    %swap3A_136 = vector.load %arg18[%swap3A, %swap3A_135] : memref<256x152xf32, #tpu.memory_space<vmem>>, vector<256x152xf32>
    tpu.vector_store %arg18[%swap3A, %swap3A_135], %add3A_134 {strides = array<i32>} : memref<256x152xf32, #tpu.memory_space<vmem>>, vector<256x152xf32>,
    return
  }
  func.func @transform_0(%arg0: i32) -> (i32, i32) {
    %c0_i32 = arith.constant 0 : i32
    %c0_i32_0 = arith.constant 0 : i32
    return %arg0, %c0_i32 : i32, i32
  }
  func.func @transform_1(%arg0: i32) -> (i32, i32) {
    %c0_i32 = arith.constant 0 : i32
    %c0_i32_0 = arith.constant 0 : i32
    return %arg0, %c0_i32 : i32, i32
  }
  func.func @transform_2(%arg0: i32) -> (i32, i32) {
    %c0_i32 = arith.constant 0 : i32
    %c0_i32_0 = arith.constant 0 : i32
    return %arg0, %c0_i32 : i32, i32
  }
  func.func @transform_3(%arg0: i32) -> (i32, i32) {
    %c0_i32 = arith.constant 0 : i32
    %c0_i32_0 = arith.constant 0 : i32
    return %arg0, %c0_i32 : i32, i32
  }
  func.func @transform_4(%arg0: i32) -> (i32, i32) {
    %c0_i32 = arith.constant 0 : i32
    %c0_i32_0 = arith.constant 0 : i32
    %c0_i32_1 = arith.constant 0 : i32
    return %c0_i32, %c0_i32_0 : i32, i32
  }
  func.func @transform_5(%arg0: i32) -> (i32, i32) {
    %c0_i32 = arith.constant 0 : i32
    %c0_i32_0 = arith.constant 0 : i32
    %c0_i32_1 = arith.constant 0 : i32
    return %c0_i32, %c0_i32_0 : i32, i32
  }
  func.func @transform_6(%arg0: i32) -> (i32, i32) {
    %c0_i32 = arith.constant 0 : i32
    %c0_i32_0 = arith.constant 0 : i32
    %c0_i32_1 = arith.constant 0 : i32
    return %c0_i32, %c0_i32_0 : i32, i32
  }
  func.func @transform_7(%arg0: i32) -> (i32, i32) {
    %c0_i32 = arith.constant 0 : i32
    %c0_i32_0 = arith.constant 0 : i32
    %c0_i32_1 = arith.constant 0 : i32
    return %c0_i32, %c0_i32_0 : i32, i32
  }
  func.func @transform_8(%arg0: i32) -> (i32, i32) {
    %c0_i32 = arith.constant 0 : i32
    %c0_i32_0 = arith.constant 0 : i32
    %c0_i32_1 = arith.constant 0 : i32
    return %c0_i32, %c0_i32_0 : i32, i32
  }
  func.func @transform_9(%arg0: i32) -> (i32, i32) {
    %c0_i32 = arith.constant 0 : i32
    %c0_i32_0 = arith.constant 0 : i32
    %c0_i32_1 = arith.constant 0 : i32
    return %c0_i32, %c0_i32_0 : i32, i32
  }
  func.func @transform_10(%arg0: i32) -> (i32, i32) {
    %c0_i32 = arith.constant 0 : i32
    %c0_i32_0 = arith.constant 0 : i32
    %c0_i32_1 = arith.constant 0 : i32
    return %c0_i32, %c0_i32_0 : i32, i32
  }
  func.func @transform_11(%arg0: i32) -> (i32, i32) {
    %c0_i32 = arith.constant 0 : i32
    %c0_i32_0 = arith.constant 0 : i32
    %c0_i32_1 = arith.constant 0 : i32
    return %c0_i32, %c0_i32_0 : i32, i32
  }
  func.func @transform_12(%arg0: i32) -> (i32, i32) {
    %c0_i32 = arith.constant 0 : i32
    %c0_i32_0 = arith.constant 0 : i32
    %c0_i32_1 = arith.constant 0 : i32
    return %c0_i32, %c0_i32_0 : i32, i32
  }
  func.func @transform_13(%arg0: i32) -> (i32, i32) {
    %c0_i32 = arith.constant 0 : i32
    %c0_i32_0 = arith.constant 0 : i32
    %c0_i32_1 = arith.constant 0 : i32
    return %c0_i32, %c0_i32_0 : i32, i32
  }
  func.func @transform_14(%arg0: i32) -> (i32, i32) {
    %c0_i32 = arith.constant 0 : i32
    %c0_i32_0 = arith.constant 0 : i32
    %c0_i32_1 = arith.constant 0 : i32
    return %c0_i32, %c0_i32_0 : i32, i32
  }
  func.func @transform_15(%arg0: i32) -> (i32, i32) {
    %c0_i32 = arith.constant 0 : i32
    %c0_i32_0 = arith.constant 0 : i32
    %c0_i32_1 = arith.constant 0 : i32
    return %c0_i32, %c0_i32_0 : i32, i32
  }
  func.func @transform_16(%arg0: i32) -> (i32, i32) {
    %c0_i32 = arith.constant 0 : i32
    %c0_i32_0 = arith.constant 0 : i32
    %c0_i32_1 = arith.constant 0 : i32
    return %c0_i32, %c0_i32_0 : i32, i32
  }
  func.func @transform_17(%arg0: i32) -> (i32, i32) {
    %c0_i32 = arith.constant 0 : i32
    %c0_i32_0 = arith.constant 0 : i32
    return %arg0, %c0_i32 : i32, i32
  }
}

</mosaic_0001>

<sc_bundles>
// kernel: kernel.6.cloned.1.call-start
scs
__scs_entry_jumppad:
0x0: {  	(pc) =	sbr.rel $0x88, $3  }
0x1: {  	(tag) =	ssettag $0x0;
	lr =	simm.s32 $0x1  }
0x2: {  	[smem:$0x3F70] =	sst lr;
	_ =	strace $0xD0000000  }
0x3: {  	_ = 	snop  }
0x4: {  	_ = 	snop  }
0x5: {  	_ = 	snop  }
0x6: {  	_ = 	snop  }
0x7: {  	_ = 	snop  }
__scs_overlays_trampoline_lowered:
0x8: {  	[smem:$0x3F7F] =	sst s0  }
0x9: {  	[smem:$0x3F80] =	sst s1  }
0xa: {  	[smem:$0x3F81] =	sst s2  }
0xb: {  	[smem:$0x3F82] =	sst s3  }
0xc: {  	[smem:$0x3F83] =	sst s4  }
0xd: {  	[smem:$0x3F84] =	sst s5  }
0xe: {  	[smem:$0x3F85] =	sst s6  }
0xf: {  	[smem:$0x3F86] =	sst s7  }
0x10: {  	[smem:$0x3F87] =	sst s8  }
0x11: {  	[smem:$0x3F88] =	sst s9;
	s0 =	simm.s32 @!p0 $0x0  }
0x12: {  	s1 =	sld [smem:$0x3F6E];
	s0 =	simm.s32 @p0 $0x1  }
0x13: {  	[smem:$0x3F89] =	sst s0;
	s0 =	simm.s32 @!p1 $0x0  }
0x14: {  	s2 =	sld [smem:$0x3F6D];
	s0 =	simm.s32 @p1 $0x1  }
0x15: {  	[smem:$0x3F8A] =	sst s0;
	s0 =	simm.s32 @!p2 $0x0  }
0x16: {  	s3 =	sld [smem:$0x3FDB];
	s0 =	simm.s32 @p2 $0x1  }
0x17: {  	s4 =	simm.s32 $0x1BF5;
	[smem:$0x3F8C] =	sst s0  }
0x18: {  	s0 =	sld [smem:$0x3F6F];
	_ =	swait.ge [sflag:s4], $0x0  }
0x19: {  	s7 =	sld [smem:$0x3F70]  }
0x1a: {  	s8 =	sadd.s32 $0xFFFFE003, lr  }
0x1b: {  	s9 =	sadd.s32 $0xFFFFFEF7, lr;
	s5 =	simm.s32 $0xFFFFFFFF;
	p2 =	slt.u32 s8, $0xFFFFF086  }
0x1c: {  	p1 =	slt.u32 s9, $0xF7A;
	s5 =	simm.s32 @!p2 $0x0  }
0x1d: {  	s5 =	simm.s32 @p1 $0x1;
	p0 =	seq.s32 s7, s2  }
0x1e: {  	s7 =	smul.u32 @!p0 $0xF7A, s2;
	p2 =	seq.s32 @!p0 s5, $0x0  }
0x1f: {  	s9 =	smul.u32 $0xF7A, s1;
	s8 =	simm.s32 @!p0 $0x1BF5;
	p2 =	por !p2, p0  }
0x20: {  	[sflag:s8] =	ssyncset.s32 @!p0 $0xFFFFF086;
	s6 =	sadd.s32 @!p0 s3, s7;
	s7 =	simm.s32 @!p0 $0x108  }
0x21: {  	s3 =	sadd.s32 s3, s9;
	s6 =	sadd.s32 @!p0 $0x88, s6;
	s7 =	simm.s32 @p2 $0x1082  }
0x22: {  	[simem:s7], [sflag:s8] =	dma.local @!p0 [hbm:s6], $0xF7A  }
0x23: {  	s9 =	sor.u32 $0xD0000000, s2;
	s6 =	simm.s32 $0x108;
	_ =	swait.ge @!p0 [sflag:s8], $0x0  }
0x24: {  	s3 =	sadd.s32 $0x88, s3;
	s6 =	simm.s32 @!p1 $0x1082;
	[sflag:s4] =	ssyncset.s32 $0xFFFFF086  }
0x25: {  	[simem:s6], [sflag:s4] =	dma.local [hbm:s3], $0xF7A  }
0x26: {  	[smem:$0x3F70] =	sst s1;
	(tag) =	ssettag s2;
	_ =	strace s9  }
0x27: {  	s1 =	sld [smem:$0x3F80]  }
0x28: {  	s2 =	sld [smem:$0x3F81]  }
0x29: {  	s4 =	sld [smem:$0x3F83]  }
0x2a: {  	p0 =	seq.s32 s5, $0x0;
	s5 =	sld [smem:$0x3F84]  }
0x2b: {  	s6 =	sld [smem:$0x3F85]  }
0x2c: {  	s7 =	sld [smem:$0x3F86]  }
0x2d: {  	s3 =	simm.s32 $0x108;
	s8 =	sld [smem:$0x3F87]  }
0x2e: {  	s3 =	simm.s32 @!p0 $0x1082;
	s9 =	sld [smem:$0x3F88]  }
0x2f: {  	lr =	sadd.s32 s0, s3;
	s0 =	sld [smem:$0x3F7F]  }
0x30: {  	s3 =	sld [smem:$0x3F82]  }
0x31: {  	[smem:$0x3F8B] =	sst s10  }
0x32: {  	s10 =	sld [smem:$0x3F89];
	_ =	sdelay $0x3  }
0x33: {  	p0 =	seq.s32 s10, $0x1;
	s10 =	sld [smem:$0x3F8B];
	_ =	sdelay $0x3  }
0x34: {  	[smem:$0x3F8B] =	sst s10  }
0x35: {  	s10 =	sld [smem:$0x3F8A];
	_ =	sdelay $0x3  }
0x36: {  	p1 =	seq.s32 s10, $0x1;
	s10 =	sld [smem:$0x3F8B];
	_ =	sdelay $0x3  }
0x37: {  	[smem:$0x3F8B] =	sst s10  }
0x38: {  	s10 =	sld [smem:$0x3F8C]  }
0x39: {  	_ = 	snop;
	(pc) =	sbr.ind lr, $3  }
0x3a: {  	_ = 	snop  }
0x3b: {  	_ = 	snop  }
0x3c: {  	p2 =	seq.s32 s10, $0x1;
	s10 =	sld [smem:$0x3F8B]  }
0x3d: {  	_ =	shalt  }
0x3e: {  	_ =	shalt  }
0x3f: {  	_ =	shalt  }
0x40: {  	_ =	shalt  }
0x41: {  	_ =	shalt  }
0x42: {  	_ =	shalt  }
0x43: {  	_ =	shalt  }
0x44: {  	_ =	shalt  }
0x45: {  	_ =	shalt  }
0x46: {  	_ =	shalt  }
0x47: {  	_ =	shalt  }
0x48: {  	_ =	shalt  }
0x49: {  	_ =	shalt  }
0x4a: {  	_ =	shalt  }
0x4b: {  	_ =	shalt  }
0x4c: {  	_ =	shalt  }
0x4d: {  	_ =	shalt  }
0x4e: {  	_ =	shalt  }
0x4f: {  	_ =	shalt  }
0x50: {  	_ =	shalt  }
0x51: {  	_ =	shalt  }
0x52: {  	_ =	shalt  }
0x53: {  	_ =	shalt  }
0x54: {  	_ =	shalt  }
0x55: {  	_ =	shalt  }
0x56: {  	_ =	shalt  }
0x57: {  	_ =	shalt  }
0x58: {  	_ =	shalt  }
0x59: {  	_ =	shalt  }
0x5a: {  	_ =	shalt  }
0x5b: {  	_ =	shalt  }
0x5c: {  	_ =	shalt  }
0x5d: {  	_ =	shalt  }
0x5e: {  	_ =	shalt  }
0x5f: {  	_ =	shalt  }
0x60: {  	_ =	shalt  }
0x61: {  	_ =	shalt  }
0x62: {  	_ =	shalt  }
0x63: {  	_ =	shalt  }
0x64: {  	_ =	shalt  }
0x65: {  	_ =	shalt  }
0x66: {  	_ =	shalt  }
0x67: {  	_ =	shalt  }
0x68: {  	_ =	shalt  }
0x69: {  	_ =	shalt  }
0x6a: {  	_ =	shalt  }
0x6b: {  	_ =	shalt  }
0x6c: {  	_ =	shalt  }
0x6d: {  	_ =	shalt  }
0x6e: {  	_ =	shalt  }
0x6f: {  	_ =	shalt  }
0x70: {  	_ =	shalt  }
0x71: {  	_ =	shalt  }
0x72: {  	_ =	shalt  }
0x73: {  	_ =	shalt  }
0x74: {  	_ =	shalt  }
0x75: {  	_ =	shalt  }
0x76: {  	_ =	shalt  }
0x77: {  	_ =	shalt  }
0x78: {  	_ =	shalt  }
0x79: {  	_ =	shalt  }
0x7a: {  	_ =	shalt  }
0x7b: {  	_ =	shalt  }
0x7c: {  	_ =	shalt  }
0x7d: {  	_ =	shalt  }
0x7e: {  	_ =	shalt  }
0x7f: {  	_ =	shalt  }
0x80: {  	_ =	shalt  }
0x81: {  	_ =	shalt  }
0x82: {  	_ =	shalt  }
0x83: {  	_ =	shalt  }
0x84: {  	_ =	shalt  }
0x85: {  	_ =	shalt  }
0x86: {  	_ =	shalt  }
0x87: {  	_ =	shalt  }
.Lfunc_end0:
.L_simem_size_0:
called_computation_lowered:
.L_overlay_start_0:
0x88: {  	s2 =	sld [smem:$0x3FD9]  }
0x89: {  	s3 =	sld [smem:$0x3FFE];
	_ =	sdelay $0x1  }
0x8a: {  	s1 =	srdreg.scid  }
0x8b: {  	s0 =	sand.u32 $0x1, s1  }
0x8c: {  	s17 =	sshll.u32 s0, $0xA;
	s2 =	sadd.s32 s3, s2  }
0x8d: {  	s2 =	sadd.s32 s2, s17  }
0x8e: {  	[smem:$0x3F97] =	sst s2  }
0x8f: {  	_ = 	snop  }
0x90: {  	s2 =	sld [smem:$0x3FC5];
	(tm) =	ssettm $0x1  }
0x91: {  	s18 =	sld [smem:$0x3FFB];
	_ =	sdelay $0x3  }
0x92: {  	_ =	strace s18  }
0x93: {  	s3 =	sld [smem:$0x3FFC];
	_ =	sdelay $0x3  }
0x94: {  	_ =	strace s3  }
0x95: {  	s3 =	sld [smem:$0x3FFD];
	_ =	sdelay $0x3  }
0x96: {  	_ =	strace s3  }
0x97: {  	_ =	strace $0x8FFFFFFF  }
0x98: {  	s19 =	sld [smem:$0x3FDB];
	_ =	sdelay $0x1  }
0x99: {  	s4 =	simm.s32 $_scs_section_size  }
0x9a: {  	s5 =	simm.s32 $_size__tile_overlayer_lowered;
	s6 =	simm.s32 $_tile_overlayer_lowered  }
0x9b: {  	s22 =	simm.s32 $0x1BFF;
	s21 =	sshll.u32 s6, $0x1;
	s3 =	sadd.s32 s4, s19  }
0x9c: {  	s7 =	simm.s32 $0x0;
	s20 =	sshll.u32 s5, $0x1;
	s5 =	sadd.s32 s21, s3  }
0x9d: {  	[timem:s7], [sflag:s22] =	dma.local [hbm:s5], s20  }
0x9e: {  	_ =	swait.ge [sflag:s22], s20  }
0x9f: {  	s4 =	ssub.s32 $0x0, s20;
	[sflag:s22] =	ssyncset.done $0x0  }
0xa0: {  	[sflag:s22] =	ssyncadd.s32 s4;
	_ =	sdelay $0x1  }
0xa1: {  	s23 =	simm.s32 $0x1B8B  }
0xa2: {  	_ =	swait.ge [sflag:s23], $0x1  }
0xa3: {  	[sflag:s23] =	ssyncset.done $0x0  }
0xa4: {  	s25 =	simm.s32 $0x1B8E;
	s24 =	sld [smem:$0x3FFE];
	[sflag:s23] =	ssyncadd.s32 $0xFFFFFFFF  }
0xa5: {  	s26 =	simm.s32 $execute0_lowered;
	[smem:$0x3FD2] =	sst s25  }
0xa6: {  	s5 =	sshll.u32 s26, $0x1;
	_ =	strace $0x80000046;
	[dreg:$0x1] =	wrdreg $0xFFFFFFFF  }
0xa7: {  	s28 =	simm.s32 $_size_execute0_lowered;
	s3 =	sadd.s32 s3, s5;
	[dreg:$0x0] =	wrdreg $0x0  }
0xa8: {  	s5 =	sshll.u32 s28, $0x1;
	[dreg:$0x2] =	wrdreg s3  }
0xa9: {  	[dreg:$0x3] =	wrdreg s5  }
0xaa: {  	[dreg:$0x4] =	wrdreg $0xC0  }
0xab: {  	_ =	task [dreg:s7], $0x5FFFF  }
0xac: {  	[dreg:$0x1] =	wrdreg $0xFFFFFFFF  }
0xad: {  	[dreg:$0x0] =	wrdreg $0x60  }
0xae: {  	[dreg:$0x2] =	wrdreg s24  }
0xaf: {  	[dreg:$0x3] =	wrdreg s2  }
0xb0: {  	[dreg:$0x4] =	wrdreg $0x9  }
0xb1: {  	_ =	task.clear_ibuf [dreg:s7], $0x5FFFF;
	_ =	strace $0x90000046  }
0xb2: {  	s29 =	simm.s32 $0x9;
	_ =	strace $0x80000048  }
0xb3: {  	_ =	swait.ge [sflag:s29], $0x1  }
0xb4: {  	[sflag:s29] =	ssyncadd.s32 $0xFFFFFFFF  }
0xb5: {  	_ =	strace $0x90000048  }
0xb6: {  	_ =	sfence  }
0xb7: {  	s30 =	sld [smem:$0x0];
	_ =	sdelay $0x2  }
0xb8: {  	s31 =	sshll.u32 s1, $0xD;
	s1 =	sshrl.u32 s1, $0x2  }
0xb9: {  	s3 =	sand.u32 $0x4000, s31;
	s1 =	sadd.s32 s1, s30  }
0xba: {  	s0 =	sor.u32 s3, s0;
	s1 =	sshll.u32 s1, $0x11  }
0xbb: {  	s0 =	sor.u32 s1, s0  }
0xbc: {  	s0 =	sadd.s32 $0x8F2B, s0  }
0xbd: {  	[sflag:s0] =	ssyncadd.remote.s32 $0x1  }
0xbe: {  	_ =	sfence.sel $0xFFFF  }
0xbf: {  	[dreg:$0x0] =	wrdreg $0xFFFFFFFF;
	(pc) =	sbr.abs _section_cstart, $3  }
0xc0: {  	[dreg:$0x1] =	wrdreg $0xFFFFFFFF  }
0xc1: {  	_ =	task.clear_ibuf [dreg:s7], $0x2FFFF;
	_ =	strace $0x9FFFFFFF  }
0xc2: {  	(tm) =	ssettm $0x7FFFFFFF  }
0xc3: {  	_ =	shalt  }
tec
execute0_lowered:
.L_overlay_start_1:
0x0: {  	(tag) =	ssettag $0x1  }
0x1: {  	s1 =	srdreg.scid  }
0x2: {  	s0 =	stileid.u32;
	s3 =	sand.u32 $0x1, s1  }
0x3: {  	s4 =	rddreg [dreg:$0x0];
	s29 =	sshll.u32 s0, $0x6;
	s2 =	sshll.u32 s3, $0x5  }
0x4: {  	s5 =	rddreg [dreg:$0x1];
	s6 =	sor.u32 s2, s29  }
0x5: {  	s10 =	simm.s32 $0x1080;
	s11 =	simm.s32 $0x1880;
	v0 =	vmov s6;
	s7 =	sor.u32 $0x10, s6  }
0x6: {  	s12 =	simm.s32 $0x1;
	s1 =	rddreg [dreg:$0x2];
	s30 =	ssub.s32 $0x2, s3;
	v0 =	vmul.u32 $0x28, v0;
	v1 =	vmov s7  }
0x7: {  	v4 =	vlaneseq.u32;
	s3 =	sadd.s32 $0xA7A00, s4;
	s2 =	simm.s32 $0x0;
	s9 =	sshrl.u32 s30, $0x1;
	v1 =	vmul.u32 $0x28, v1  }
0x8: {  	v2 =	vmul.u32 $0x28, v4;
	[smem:$0x7FF] =	sst s2;
	s8 =	sshll.u32 s6, $0x5;
	s31 =	sshrl.u32 s6, $0x3;
	v0 =	vbroadcast v0, $0x0  }
0x9: {  	v3 =	vshrl.u32 v4, $0x3;
	_ =	strace $0x80000047;
	s8 =	sadd.s32 s8, s4;
	s7 =	ssub.s32 s30, s9;
	v1 =	vbroadcast v1, $0x0  }
0xa: {  	vm0 =	vmmov $0xffff;
	v3 =	vmul.u32 $0x8, v3;
	s4 =	sadd.s32 s5, s31;
	s9 =	simm.s32 $0x880;
	s5 =	sadd.s32 $0x7A00, s8;
	v0 =	vadd.s32 v2, v0  }
0xb: {  	s6 =	smax.u32 s7, $0x1;
	s7 =	simm.s32 $0x2;
	s8 =	simm.s32 $0x80;
	v1 =	vadd.s32 v2, v1;
	v2 =	vand.u32 $0x7, v4;
	v4 =	vor.u32 $0x8, v4  }
.LBB2_1:
0xc: {  	[tilespmem:s2], [sflag:$0x2] =	stream.linear.gather [hbm4b:s4+s2], $0x20, $0x38;
	[tilespmem:$0x2080] =	vst v63  }
0xd: {  	_ =	swait.ge [sflag:s7], $0x20  }
0xe: {  	[sflag:s7] =	ssyncset.done $0x0  }
0xf: {  	[sflag:s7] =	ssyncadd.s32 $0xFFFFFFE0  }
0x10: {  	v5 =	vld [tilespmem:$0x0];
	_ =	sdelay $0x4  }
0x11: {  	v6 =	vadd.s32 v5, v0  }
0x12: {  	v7 =	vshll.u32 v6, $0x1  }
0x13: {  	v5 =	vand.u32 $0x7, v5;
	v7 =	vand.u32 $0xFFFFFFF0, v7  }
0x14: {  	v5 =	vor.u32 v5, v7  }
0x15: {  	v7 =	vld [tilespmem:$0x10];
	v8 =	vperm.xlane v5, v2;
	_ =	sdelay $0x1  }
0x16: {  	v5 =	vperm.xlane v5, v4;
	v8 =	vadd.s32 v3, v8;
	_ =	sdelay $0x1  }
0x17: {  	v5 =	vadd.s32 v3, v5  }
0x18: {  	[tilespmem:$0x0] =	vst v6;
	v6 =	vadd.s32 v7, v1  }
0x19: {  	[tilespmem:$0x10] =	vst v6  }
0x1a: {  	[tilespmem:s8], [sflag:$0x1] =	stream.indirect_vreg.gather [hbm4b:s3+s2], $0x80, v8, vm0, $0xb8;
	[tilespmem:$0x2080] =	vst v63  }
0x1b: {  	_ = 	snop  }
0x1c: {  	[tilespmem:s9], [sflag:$0x1] =	stream.indirect_vreg.gather [hbm4b:s3+s2], $0x80, v5, vm0, $0xb8;
	[tilespmem:$0x2080] =	vst v63  }
0x1d: {  	v5 =	vld [tilespmem:$0x10];
	_ =	sdelay $0x4  }
0x1e: {  	v6 =	vshll.u32 v5, $0x1  }
0x1f: {  	v5 =	vand.u32 $0x7, v5;
	v6 =	vand.u32 $0xFFFFFFF0, v6  }
0x20: {  	v5 =	vor.u32 v5, v6  }
0x21: {  	v6 =	vperm.xlane v5, v2;
	_ =	sdelay $0x1  }
0x22: {  	v5 =	vperm.xlane v5, v4;
	v6 =	vadd.s32 v3, v6;
	_ =	sdelay $0x1  }
0x23: {  	v5 =	vadd.s32 v3, v5;
	_ =	sdelay $0x2  }
0x24: {  	[tilespmem:s10], [sflag:$0x1] =	stream.indirect_vreg.gather [hbm4b:s3+s2], $0x80, v6, vm0, $0xb8;
	[tilespmem:$0x2080] =	vst v63  }
0x25: {  	_ = 	snop  }
0x26: {  	[tilespmem:s11], [sflag:$0x1] =	stream.indirect_vreg.gather [hbm4b:s3+s2], $0x80, v5, vm0, $0xb8;
	[tilespmem:$0x2080] =	vst v63  }
0x27: {  	_ =	swait.ge [sflag:s12], $0x2000  }
0x28: {  	p0 =	sne.s32 s6, $0x1;
	[sflag:s12] =	ssyncset.done $0x0  }
.Ltmp0:
0x29: {  	[sflag:s12] =	ssyncadd.s32 $0xFFFFE000;
	(pc) =	sbr.rel @p0 .LBB2_1-.Ltmp0, $4  }
0x2a: {  	[hbm4b:s5+s2] =	stream.linear.scatter [tilespmem:s8], [sflag:$0x2], $0x2000, $0x38;
	[tilespmem:$0x2080] =	vst v63  }
0x2b: {  	_ =	swait.ge [sflag:s7], $0x2000  }
0x2c: {  	[sflag:s7] =	ssyncset.done $0x0  }
0x2d: {  	s6 =	sadd.s32 $0xFFFFFFFF, s6;
	[sflag:s7] =	ssyncadd.s32 $0xFFFFE000  }
0x2e: {  	_ =	sfence.sel $0x180000  }
0x2f: {  	[bflag:$0x0] =	sbarrier.arrive $0xFFFF  }
0x30: {  	p0 =	sne.s32 s0, $0x0;
	_ =	strace $0x90000047  }
0x31: {  	s0 =	sadd.s32 @!p0 $0x100000, s1;
	[bflag:$0x2] =	sbarrier.arrive $0xFFFF  }
0x32: {  	[sflag:s0] =	ssyncadd.tile.s32 @!p0 $0x1;
	_ =	shalt  }
.Lfunc_end2:
_tile_overlayer_lowered:
.L_overlay_start_2:
0x33: {  	(tag) =	ssettag $0x2  }
0x34: {  	s0 =	rddreg [dreg:$0x0];
	s2 =	stileid.u32  }
0x35: {  	s1 =	rddreg [dreg:$0x1];
	p0 =	sne.s32 s2, $0x0  }
0x36: {  	s3 =	rddreg [dreg:$0x2];
	[bflag:$0x3] =	sbarrier.arrive $0xFFFF;
	s2 =	simm.s32 @!p0 $0x1C02  }
0x37: {  	[timem:s3], [sflag:s2] =	dma.local @!p0 [hbm:s0], s1  }
0x38: {  	s0 =	simm.s32 @!p0 $0x2  }
0x39: {  	_ =	swait.ge @!p0 [sflag:s0], s1  }
0x3a: {  	s1 =	ssub.s32 @!p0 $0x0, s1;
	[sflag:s0] =	ssyncset.done @!p0 $0x0  }
0x3b: {  	[sflag:s0] =	ssyncadd.s32 @!p0 s1  }
0x3c: {  	[bflag:$0x3] =	sbarrier.arrive $0xFFFF  }
0x3d: {  	_ =	shalt  }

</sc_bundles>
